<compile_context>
chip_gen: v7x
topology: tpu7x:2x2x1
jax: 0.10.2.dev20260603
libtpu: 0.0.44.dev20260713+nightly
codegen_flags: <defaults>
</compile_context>

<pallas_src>
import functools

import jax
import jax.numpy as jnp
from jax import lax
from jax.experimental import pallas as pl
from jax.experimental.pallas import tpu as pltpu
from jax.experimental.pallas import tpu_sc as plsc

F = 10
_CHUNK = 16
_RING = 2


def _leaky(x):
    return jnp.where(x >= 0, x, 0.01 * x)



def _sc_mean_body(x2_hbm, m2_hbm, *refs, node0, npw):
    bufs = refs[:_RING]
    obufs = refs[_RING:2 * _RING]
    sems = refs[2 * _RING:3 * _RING]
    osems = refs[3 * _RING:4 * _RING]
    nc = plsc.get_sparse_core_info().num_cores
    wid = lax.axis_index("s") * nc + lax.axis_index("c")
    nstart = jnp.minimum(wid * npw, m2_hbm.shape[0] - npw)
    nchunks = npw // _CHUNK
    ngroups = nchunks // _RING

    def in_copy(g, slot):
        rbase = (node0 + nstart + g * _CHUNK) * F
        return pltpu.make_async_copy(
            x2_hbm.at[pl.ds(rbase, _CHUNK * F)], bufs[slot], sems[slot])

    def out_copy(g, slot):
        nbase = nstart + g * _CHUNK
        return pltpu.make_async_copy(
            obufs[slot], m2_hbm.at[pl.ds(nbase, _CHUNK)], osems[slot])

    for b in range(_RING):
        in_copy(b, b).start()

    def group(t, _):
        for b in range(_RING):
            g = t * _RING + b
            in_copy(g, b).wait()

            @pl.when(t >= 1)
            def _():
                out_copy(g - _RING, b).wait()

            buf, ob = bufs[b], obufs[b]

            def node(n, _):
                for col in range(8):
                    c = pl.ds(col * 16, 16)
                    acc = buf[n * F, c]
                    for j in range(1, F):
                        acc = acc + buf[n * F + j, c]
                    ob[n, c] = acc * (1.0 / F)
                return 0
            lax.fori_loop(0, _CHUNK, node, 0)

            out_copy(g, b).start()

            @pl.when(g + _RING < nchunks)
            def _():
                in_copy(g + _RING, b).start()
        return 0

    lax.fori_loop(0, ngroups, group, 0)
    for b in range(_RING):
        out_copy(nchunks - _RING + b, b).wait()


def _sc_mean(x2, node0, n_nodes):
    step = _CHUNK * _RING
    npw = (-(-n_nodes // 32) + step - 1) // step * step
    mesh = plsc.VectorSubcoreMesh(core_axis_name="c", subcore_axis_name="s")
    fn = pl.kernel(
        functools.partial(_sc_mean_body, node0=node0, npw=npw),
        mesh=mesh,
        out_type=jax.ShapeDtypeStruct((n_nodes, x2.shape[1]), jnp.float32),
        scratch_types=(
            [pltpu.VMEM((_CHUNK * F, 128), jnp.float32)] * _RING
            + [pltpu.VMEM((_CHUNK, 128), jnp.float32)] * _RING
            + [pltpu.SemaphoreType.DMA] * (2 * _RING)
        ),
    )
    return fn(x2)



def _tc_m2_body(x0_r, x1g_r, m2g_r, wa0_r, ba0_r, ws0_r, wa1_r, ba1_r, ws1_r,
                out_r, *, d_in):
    ws0 = ws0_r[...]
    wa0 = wa0_r[...]
    ba0 = ba0_r[...]

    acc_h1 = None
    acc_m1 = None
    for k in range(F):
        m2k = m2g_r[:, k * d_in:(k + 1) * d_in]
        x1k = x1g_r[:, k * d_in:(k + 1) * d_in]
        h1k = _leaky(jnp.dot(x1k, ws0, preferred_element_type=jnp.float32)
                     + jnp.dot(m2k, wa0, preferred_element_type=jnp.float32)
                     + ba0)
        acc_h1 = h1k if acc_h1 is None else acc_h1 + h1k
        acc_m1 = x1k if acc_m1 is None else acc_m1 + x1k
    mh1 = acc_h1 * (1.0 / F)
    m1 = acc_m1 * (1.0 / F)

    h0 = _leaky(jnp.dot(x0_r[...], ws0, preferred_element_type=jnp.float32)
                + jnp.dot(m1, wa0, preferred_element_type=jnp.float32) + ba0)

    out_r[...] = (jnp.dot(h0, ws1_r[...], preferred_element_type=jnp.float32)
                  + jnp.dot(mh1, wa1_r[...], preferred_element_type=jnp.float32)
                  + ba1_r[...])


def kernel(x0, x1, x2, W_agg0, b_agg0, W_self0, W_agg1, b_agg1, W_self1):
    B, D_in = x0.shape
    D_h = W_agg0.shape[1]
    S = 1000
    nb = B // S

    m2 = _sc_mean(x2, 0, B * F)

    x1g = x1.reshape(B, F * D_in)
    m2g = m2.reshape(B, F * D_in)
    ba0 = b_agg0.reshape(1, D_h)
    ba1 = b_agg1.reshape(1, D_h)
    w_in = [
        pl.BlockSpec((D_in, D_h), lambda i: (0, 0)),
        pl.BlockSpec((1, D_h), lambda i: (0, 0)),
        pl.BlockSpec((D_in, D_h), lambda i: (0, 0)),
        pl.BlockSpec((D_h, D_h), lambda i: (0, 0)),
        pl.BlockSpec((1, D_h), lambda i: (0, 0)),
        pl.BlockSpec((D_h, D_h), lambda i: (0, 0)),
    ]
    weights = (W_agg0, ba0, W_self0, W_agg1, ba1, W_self1)

    out = pl.pallas_call(
        functools.partial(_tc_m2_body, d_in=D_in),
        grid=(nb,),
        in_specs=[
            pl.BlockSpec((S, D_in), lambda i: (i, 0)),
            pl.BlockSpec((S, F * D_in), lambda i: (i, 0)),
            pl.BlockSpec((S, F * D_in), lambda i: (i, 0)),
        ] + w_in,
        out_specs=pl.BlockSpec((S, D_h), lambda i: (i, 0)),
        out_shape=jax.ShapeDtypeStruct((B, D_h), jnp.float32),
    )(x0, x1g, m2g, *weights)
    return out

# --- scband reference (transcript-rebuilt; emitter-appended) ---
"""Pipeline reference for scband-sa-gnn-1322849927376 (READ-ONLY COPY).

The authoritative reference and input builder live on the scoring server;
editing this copy changes nothing except your own understanding.
"""

import jax, jax.numpy as jnp
import numpy as np

B = 5000
FANOUT = 10
D_IN = 128
D_H = 256


def setup_inputs(seed: int = 0) -> dict:
    key = jax.random.key(seed)
    ks = jax.random.split(key, 12)
    x0 = jax.random.normal(ks[0], (B, D_IN), dtype=jnp.float32)
    x1 = jax.random.normal(ks[1], (B * FANOUT, D_IN), dtype=jnp.float32)
    x2 = jax.random.normal(ks[2], (B * FANOUT * FANOUT, D_IN), dtype=jnp.float32)
    # layer 0: GCNLayer(input_dim, 256) with leaky_relu
    W_agg0 = jax.random.normal(ks[3], (D_IN, D_H), dtype=jnp.float32) * 0.05
    b_agg0 = jnp.zeros((D_H,), dtype=jnp.float32)
    W_self0 = jax.random.normal(ks[4], (D_IN, D_H), dtype=jnp.float32) * 0.05
    # layer 1: GCNLayer(256, 256) with no activation
    W_agg1 = jax.random.normal(ks[5], (D_H, D_H), dtype=jnp.float32) * 0.05
    b_agg1 = jnp.zeros((D_H,), dtype=jnp.float32)
    W_self1 = jax.random.normal(ks[6], (D_H, D_H), dtype=jnp.float32) * 0.05
    return {
        "x0": x0, "x1": x1, "x2": x2,
        "W_agg0": W_agg0, "b_agg0": b_agg0, "W_self0": W_self0,
        "W_agg1": W_agg1, "b_agg1": b_agg1, "W_self1": W_self1,
    }


def _gcn_layer(src, neigh, W_agg, b_agg, W_self, activation):
    # MessagePassing: mean over neighbor axis, then linear
    neighbor_message = neigh.mean(axis=1)
    neighbor_hidden = jnp.matmul(neighbor_message, W_agg) + b_agg
    self_hidden = jnp.matmul(src, W_self)
    hidden = self_hidden + neighbor_hidden
    if activation:
        hidden = jax.nn.leaky_relu(hidden, negative_slope=0.01)
    return hidden


def reference(x0, x1, x2, W_agg0, b_agg0, W_self0, W_agg1, b_agg1, W_self1):
    hidden = [x0, x1, x2]
    # layer 0 applied to hops 0 and 1 (leaky_relu)
    h0 = _gcn_layer(hidden[0], hidden[1].reshape(hidden[0].shape[0], FANOUT, -1), W_agg0, b_agg0, W_self0, True)
    h1 = _gcn_layer(hidden[1], hidden[2].reshape(hidden[1].shape[0], FANOUT, -1), W_agg0, b_agg0, W_self0, True)
    # layer 1 applied to hop 0 (no activation)
    out = _gcn_layer(h0, h1.reshape(h0.shape[0], FANOUT, -1), W_agg1, b_agg1, W_self1, False)
    return out

if __name__ == "__main__":
    import jax
    _d = setup_inputs()
    print(jax.jit(kernel)(*tuple(_d.values())))

</pallas_src>

<mosaic_0001>
#map = affine_map<(d0, d1) -> (0, 0)>
module attributes {stable_mosaic.version = 14 : i64} {
  func.func @_sc_mean_body(%arg0: i32, %arg1: i32, %arg2: memref<500000x128xf32, #tpu.memory_space<hbm>>, %arg3: memref<50000x128xf32, #tpu.memory_space<hbm>>, %arg4: memref<160x128xf32, #tpu.memory_space<vmem>>, %arg5: memref<160x128xf32, #tpu.memory_space<vmem>>, %arg6: memref<16x128xf32, #tpu.memory_space<vmem>>, %arg7: memref<16x128xf32, #tpu.memory_space<vmem>>, %arg8: memref<!tpu.dma_semaphore, #tpu.memory_space<semaphore_mem>>, %arg9: memref<!tpu.dma_semaphore, #tpu.memory_space<semaphore_mem>>, %arg10: memref<!tpu.dma_semaphore, #tpu.memory_space<semaphore_mem>>, %arg11: memref<!tpu.dma_semaphore, #tpu.memory_space<semaphore_mem>>) attributes {dimension_semantics = [#tpu.dimension_semantics<core_parallel>, #tpu.dimension_semantics<subcore_parallel>], iteration_bounds = array<i64: 2, 16>, scalar_prefetch = 0 : i64, scratch_operands = 8 : i64, tpu.core_type = #tpu.core_type<sc_vector_subcore>, window_params = [{transform_indices = #map}, {transform_indices = #map}]} {
    %mul3A = arith.constant 2 : i32
    %mul3A_0 = arith.muli %arg1, %mul3A : i32
    %add3A = arith.addi %mul3A_0, %arg0 : i32
    %mul3A_1 = arith.constant 1568 : i32
    %mul3A_2 = arith.muli %add3A, %mul3A_1 : i32
    %min3A = arith.constant 48432 : i32
    %min3A_3 = arith.minsi %mul3A_2, %min3A : i32
    %add3A_4 = arith.constant 0 : i32
    %add3A_5 = arith.addi %add3A_4, %min3A_3 : i32
    %add3A_6 = arith.constant 0 : i32
    %add3A_7 = arith.addi %add3A_5, %add3A_6 : i32
    %mul3A_8 = arith.constant 10 : i32
    %mul3A_9 = arith.muli %add3A_7, %mul3A_8 : i32
    %dma_start3A = arith.constant 0 : i32
    %dma_start3A_10 = tpu.memref_slice %arg2[%mul3A_9, %dma_start3A] : memref<500000x128xf32, #tpu.memory_space<hbm>> -> memref<160x128xf32, #tpu.memory_space<hbm>>
    %dma_start3A_11 = arith.constant 0 : i32
    %dma_start3A_12 = tpu.memref_slice %arg2[%mul3A_9, %dma_start3A_11] : memref<500000x128xf32, #tpu.memory_space<hbm>> -> memref<160x128xf32, #tpu.memory_space<hbm>>
    tpu.enqueue_dma source(%dma_start3A_12 : memref<160x128xf32, #tpu.memory_space<hbm>>) target(%arg4 : memref<160x128xf32, #tpu.memory_space<vmem>>) target_semaphore(%arg8 : memref<!tpu.dma_semaphore, #tpu.memory_space<semaphore_mem>>)
    %add3A_13 = arith.constant 0 : i32
    %add3A_14 = arith.addi %add3A_13, %min3A_3 : i32
    %add3A_15 = arith.constant 16 : i32
    %add3A_16 = arith.addi %add3A_14, %add3A_15 : i32
    %mul3A_17 = arith.constant 10 : i32
    %mul3A_18 = arith.muli %add3A_16, %mul3A_17 : i32
    %dma_start3A_19 = arith.constant 0 : i32
    %dma_start3A_20 = tpu.memref_slice %arg2[%mul3A_18, %dma_start3A_19] : memref<500000x128xf32, #tpu.memory_space<hbm>> -> memref<160x128xf32, #tpu.memory_space<hbm>>
    %dma_start3A_21 = arith.constant 0 : i32
    %dma_start3A_22 = tpu.memref_slice %arg2[%mul3A_18, %dma_start3A_21] : memref<500000x128xf32, #tpu.memory_space<hbm>> -> memref<160x128xf32, #tpu.memory_space<hbm>>
    tpu.enqueue_dma source(%dma_start3A_22 : memref<160x128xf32, #tpu.memory_space<hbm>>) target(%arg5 : memref<160x128xf32, #tpu.memory_space<vmem>>) target_semaphore(%arg9 : memref<!tpu.dma_semaphore, #tpu.memory_space<semaphore_mem>>)
    %scan3A = arith.constant 0 : i32
    %scan3A_23 = arith.constant 0 : i32
    %scan3A_24 = arith.constant 49 : i32
    %scan3A_25 = arith.addi %scan3A_23, %scan3A_24 : i32
    %scan3A_26 = arith.constant 1 : i32
    %scan3A_27 = scf.for %scan3A_40 = %scan3A_23 to %scan3A_25 step %scan3A_26 iter_args(%scan3A_41 = %scan3A) -> (i32)  : i32 {
      %mul3A_42 = arith.constant 2 : i32
      %mul3A_43 = arith.muli %scan3A_40, %mul3A_42 : i32
      %add3A_44 = arith.constant 0 : i32
      %add3A_45 = arith.addi %mul3A_43, %add3A_44 : i32
      %add3A_46 = arith.constant 0 : i32
      %add3A_47 = arith.addi %add3A_46, %min3A_3 : i32
      %mul3A_48 = arith.constant 16 : i32
      %mul3A_49 = arith.muli %add3A_45, %mul3A_48 : i32
      %add3A_50 = arith.addi %add3A_47, %mul3A_49 : i32
      %mul3A_51 = arith.constant 10 : i32
      %mul3A_52 = arith.muli %add3A_50, %mul3A_51 : i32
      %dma_wait3A_53 = arith.constant 0 : i32
      %dma_wait3A_54 = tpu.memref_slice %arg2[%mul3A_52, %dma_wait3A_53] : memref<500000x128xf32, #tpu.memory_space<hbm>> -> memref<160x128xf32, #tpu.memory_space<hbm>>
      %dma_wait3A_55 = arith.constant 0 : i32
      %dma_wait3A_56 = tpu.memref_slice %arg2[%mul3A_52, %dma_wait3A_55] : memref<500000x128xf32, #tpu.memory_space<hbm>> -> memref<160x128xf32, #tpu.memory_space<hbm>>
      tpu.wait_dma2 semaphore(%arg8 : memref<!tpu.dma_semaphore, #tpu.memory_space<semaphore_mem>>) src(%dma_wait3A_56 : memref<160x128xf32, #tpu.memory_space<hbm>>) dst(%arg4 : memref<160x128xf32, #tpu.memory_space<vmem>>)
      %ge3A = arith.constant 1 : i32
      %ge3A_57 = arith.cmpi sge, %scan3A_40, %ge3A : i32
      %convert_element_type3A = arith.extui %ge3A_57 : i1 to i32
      %cond3A = arith.constant 0 : i32
      %cond3A_58 = arith.cmpi ne, %convert_element_type3A, %cond3A : i32
      scf.if %cond3A_58 {
        %sub3A = arith.constant 2 : i32
        %sub3A_121 = arith.subi %add3A_45, %sub3A : i32
        %mul3A_122 = arith.constant 16 : i32
        %mul3A_123 = arith.muli %sub3A_121, %mul3A_122 : i32
        %add3A_124 = arith.addi %min3A_3, %mul3A_123 : i32
        %dma_wait3A_125 = arith.constant 0 : i32
        %dma_wait3A_126 = tpu.memref_slice %arg3[%add3A_124, %dma_wait3A_125] : memref<50000x128xf32, #tpu.memory_space<hbm>> -> memref<16x128xf32, #tpu.memory_space<hbm>>
        %dma_wait3A_127 = arith.constant 0 : i32
        %dma_wait3A_128 = tpu.memref_slice %arg3[%add3A_124, %dma_wait3A_127] : memref<50000x128xf32, #tpu.memory_space<hbm>> -> memref<16x128xf32, #tpu.memory_space<hbm>>
        tpu.wait_dma2 semaphore(%arg10 : memref<!tpu.dma_semaphore, #tpu.memory_space<semaphore_mem>>) src(%arg6 : memref<16x128xf32, #tpu.memory_space<vmem>>) dst(%dma_wait3A_128 : memref<16x128xf32, #tpu.memory_space<hbm>>)
      } else {
      }
      %scan3A_59 = arith.constant 0 : i32
      %scan3A_60 = arith.constant 0 : i32
      %scan3A_61 = arith.constant 16 : i32
      %scan3A_62 = arith.addi %scan3A_60, %scan3A_61 : i32
      %scan3A_63 = arith.constant 1 : i32
      %scan3A_64 = scf.for %scan3A_121 = %scan3A_60 to %scan3A_62 step %scan3A_63 iter_args(%scan3A_122 = %scan3A_59) -> (i32)  : i32 {
        %mul3A_123 = arith.constant 10 : i32
        %mul3A_124 = arith.muli %scan3A_121, %mul3A_123 : i32
        %get3A = arith.index_cast %mul3A_124 : i32 to index
        %get3A_125 = arith.constant 0 : index
        %get3A_126 = tpu.vector_load %arg4[%get3A, %get3A_125] {strides = array<i32>} : memref<160x128xf32, #tpu.memory_space<vmem>>, vector<1x16xf32>,
        %get3A_127 = vector.shape_cast %get3A_126 : vector<1x16xf32> to vector<16xf32>
        %mul3A_128 = arith.constant 10 : i32
        %mul3A_129 = arith.muli %scan3A_121, %mul3A_128 : i32
        %add3A_130 = arith.constant 1 : i32
        %add3A_131 = arith.addi %mul3A_129, %add3A_130 : i32
        %get3A_132 = arith.index_cast %add3A_131 : i32 to index
        %get3A_133 = arith.constant 0 : index
        %get3A_134 = tpu.vector_load %arg4[%get3A_132, %get3A_133] {strides = array<i32>} : memref<160x128xf32, #tpu.memory_space<vmem>>, vector<1x16xf32>,
        %get3A_135 = vector.shape_cast %get3A_134 : vector<1x16xf32> to vector<16xf32>
        %add3A_136 = arith.addf %get3A_127, %get3A_135 : vector<16xf32>
        %mul3A_137 = arith.constant 10 : i32
        %mul3A_138 = arith.muli %scan3A_121, %mul3A_137 : i32
        %add3A_139 = arith.constant 2 : i32
        %add3A_140 = arith.addi %mul3A_138, %add3A_139 : i32
        %get3A_141 = arith.index_cast %add3A_140 : i32 to index
        %get3A_142 = arith.constant 0 : index
        %get3A_143 = tpu.vector_load %arg4[%get3A_141, %get3A_142] {strides = array<i32>} : memref<160x128xf32, #tpu.memory_space<vmem>>, vector<1x16xf32>,
        %get3A_144 = vector.shape_cast %get3A_143 : vector<1x16xf32> to vector<16xf32>
        %add3A_145 = arith.addf %add3A_136, %get3A_144 : vector<16xf32>
        %mul3A_146 = arith.constant 10 : i32
        %mul3A_147 = arith.muli %scan3A_121, %mul3A_146 : i32
        %add3A_148 = arith.constant 3 : i32
        %add3A_149 = arith.addi %mul3A_147, %add3A_148 : i32
        %get3A_150 = arith.index_cast %add3A_149 : i32 to index
        %get3A_151 = arith.constant 0 : index
        %get3A_152 = tpu.vector_load %arg4[%get3A_150, %get3A_151] {strides = array<i32>} : memref<160x128xf32, #tpu.memory_space<vmem>>, vector<1x16xf32>,
        %get3A_153 = vector.shape_cast %get3A_152 : vector<1x16xf32> to vector<16xf32>
        %add3A_154 = arith.addf %add3A_145, %get3A_153 : vector<16xf32>
        %mul3A_155 = arith.constant 10 : i32
        %mul3A_156 = arith.muli %scan3A_121, %mul3A_155 : i32
        %add3A_157 = arith.constant 4 : i32
        %add3A_158 = arith.addi %mul3A_156, %add3A_157 : i32
        %get3A_159 = arith.index_cast %add3A_158 : i32 to index
        %get3A_160 = arith.constant 0 : index
        %get3A_161 = tpu.vector_load %arg4[%get3A_159, %get3A_160] {strides = array<i32>} : memref<160x128xf32, #tpu.memory_space<vmem>>, vector<1x16xf32>,
        %get3A_162 = vector.shape_cast %get3A_161 : vector<1x16xf32> to vector<16xf32>
        %add3A_163 = arith.addf %add3A_154, %get3A_162 : vector<16xf32>
        %mul3A_164 = arith.constant 10 : i32
        %mul3A_165 = arith.muli %scan3A_121, %mul3A_164 : i32
        %add3A_166 = arith.constant 5 : i32
        %add3A_167 = arith.addi %mul3A_165, %add3A_166 : i32
        %get3A_168 = arith.index_cast %add3A_167 : i32 to index
        %get3A_169 = arith.constant 0 : index
        %get3A_170 = tpu.vector_load %arg4[%get3A_168, %get3A_169] {strides = array<i32>} : memref<160x128xf32, #tpu.memory_space<vmem>>, vector<1x16xf32>,
        %get3A_171 = vector.shape_cast %get3A_170 : vector<1x16xf32> to vector<16xf32>
        %add3A_172 = arith.addf %add3A_163, %get3A_171 : vector<16xf32>
        %mul3A_173 = arith.constant 10 : i32
        %mul3A_174 = arith.muli %scan3A_121, %mul3A_173 : i32
        %add3A_175 = arith.constant 6 : i32
        %add3A_176 = arith.addi %mul3A_174, %add3A_175 : i32
        %get3A_177 = arith.index_cast %add3A_176 : i32 to index
        %get3A_178 = arith.constant 0 : index
        %get3A_179 = tpu.vector_load %arg4[%get3A_177, %get3A_178] {strides = array<i32>} : memref<160x128xf32, #tpu.memory_space<vmem>>, vector<1x16xf32>,
        %get3A_180 = vector.shape_cast %get3A_179 : vector<1x16xf32> to vector<16xf32>
        %add3A_181 = arith.addf %add3A_172, %get3A_180 : vector<16xf32>
        %mul3A_182 = arith.constant 10 : i32
        %mul3A_183 = arith.muli %scan3A_121, %mul3A_182 : i32
        %add3A_184 = arith.constant 7 : i32
        %add3A_185 = arith.addi %mul3A_183, %add3A_184 : i32
        %get3A_186 = arith.index_cast %add3A_185 : i32 to index
        %get3A_187 = arith.constant 0 : index
        %get3A_188 = tpu.vector_load %arg4[%get3A_186, %get3A_187] {strides = array<i32>} : memref<160x128xf32, #tpu.memory_space<vmem>>, vector<1x16xf32>,
        %get3A_189 = vector.shape_cast %get3A_188 : vector<1x16xf32> to vector<16xf32>
        %add3A_190 = arith.addf %add3A_181, %get3A_189 : vector<16xf32>
        %mul3A_191 = arith.constant 10 : i32
        %mul3A_192 = arith.muli %scan3A_121, %mul3A_191 : i32
        %add3A_193 = arith.constant 8 : i32
        %add3A_194 = arith.addi %mul3A_192, %add3A_193 : i32
        %get3A_195 = arith.index_cast %add3A_194 : i32 to index
        %get3A_196 = arith.constant 0 : index
        %get3A_197 = tpu.vector_load %arg4[%get3A_195, %get3A_196] {strides = array<i32>} : memref<160x128xf32, #tpu.memory_space<vmem>>, vector<1x16xf32>,
        %get3A_198 = vector.shape_cast %get3A_197 : vector<1x16xf32> to vector<16xf32>
        %add3A_199 = arith.addf %add3A_190, %get3A_198 : vector<16xf32>
        %mul3A_200 = arith.constant 10 : i32
        %mul3A_201 = arith.muli %scan3A_121, %mul3A_200 : i32
        %add3A_202 = arith.constant 9 : i32
        %add3A_203 = arith.addi %mul3A_201, %add3A_202 : i32
        %get3A_204 = arith.index_cast %add3A_203 : i32 to index
        %get3A_205 = arith.constant 0 : index
        %get3A_206 = tpu.vector_load %arg4[%get3A_204, %get3A_205] {strides = array<i32>} : memref<160x128xf32, #tpu.memory_space<vmem>>, vector<1x16xf32>,
        %get3A_207 = vector.shape_cast %get3A_206 : vector<1x16xf32> to vector<16xf32>
        %add3A_208 = arith.addf %add3A_199, %get3A_207 : vector<16xf32>
        %mul3A_209 = arith.constant 1.000000e-01 : f32
        %mul3A_210 = vector.broadcast %mul3A_209 : f32 to vector<16xf32>
        %mul3A_211 = arith.mulf %add3A_208, %mul3A_210 : vector<16xf32>
        %swap3A = arith.index_cast %scan3A_121 : i32 to index
        %swap3A_212 = arith.constant 0 : index
        %swap3A_213 = tpu.vector_load %arg6[%swap3A, %swap3A_212] {strides = array<i32>} : memref<16x128xf32, #tpu.memory_space<vmem>>, vector<1x16xf32>,
        %swap3A_214 = vector.shape_cast %swap3A_213 : vector<1x16xf32> to vector<16xf32>
        %swap3A_215 = vector.shape_cast %mul3A_211 : vector<16xf32> to vector<1x16xf32>
        tpu.vector_store %arg6[%swap3A, %swap3A_212], %swap3A_215 {strides = array<i32>} : memref<16x128xf32, #tpu.memory_space<vmem>>, vector<1x16xf32>,
        %mul3A_216 = arith.constant 10 : i32
        %mul3A_217 = arith.muli %scan3A_121, %mul3A_216 : i32
        %get3A_218 = arith.index_cast %mul3A_217 : i32 to index
        %get3A_219 = arith.constant 16 : index
        %get3A_220 = tpu.vector_load %arg4[%get3A_218, %get3A_219] {strides = array<i32>} : memref<160x128xf32, #tpu.memory_space<vmem>>, vector<1x16xf32>,
        %get3A_221 = vector.shape_cast %get3A_220 : vector<1x16xf32> to vector<16xf32>
        %mul3A_222 = arith.constant 10 : i32
        %mul3A_223 = arith.muli %scan3A_121, %mul3A_222 : i32
        %add3A_224 = arith.constant 1 : i32
        %add3A_225 = arith.addi %mul3A_223, %add3A_224 : i32
        %get3A_226 = arith.index_cast %add3A_225 : i32 to index
        %get3A_227 = arith.constant 16 : index
        %get3A_228 = tpu.vector_load %arg4[%get3A_226, %get3A_227] {strides = array<i32>} : memref<160x128xf32, #tpu.memory_space<vmem>>, vector<1x16xf32>,
        %get3A_229 = vector.shape_cast %get3A_228 : vector<1x16xf32> to vector<16xf32>
        %add3A_230 = arith.addf %get3A_221, %get3A_229 : vector<16xf32>
        %mul3A_231 = arith.constant 10 : i32
        %mul3A_232 = arith.muli %scan3A_121, %mul3A_231 : i32
        %add3A_233 = arith.constant 2 : i32
        %add3A_234 = arith.addi %mul3A_232, %add3A_233 : i32
        %get3A_235 = arith.index_cast %add3A_234 : i32 to index
        %get3A_236 = arith.constant 16 : index
        %get3A_237 = tpu.vector_load %arg4[%get3A_235, %get3A_236] {strides = array<i32>} : memref<160x128xf32, #tpu.memory_space<vmem>>, vector<1x16xf32>,
        %get3A_238 = vector.shape_cast %get3A_237 : vector<1x16xf32> to vector<16xf32>
        %add3A_239 = arith.addf %add3A_230, %get3A_238 : vector<16xf32>
        %mul3A_240 = arith.constant 10 : i32
        %mul3A_241 = arith.muli %scan3A_121, %mul3A_240 : i32
        %add3A_242 = arith.constant 3 : i32
        %add3A_243 = arith.addi %mul3A_241, %add3A_242 : i32
        %get3A_244 = arith.index_cast %add3A_243 : i32 to index
        %get3A_245 = arith.constant 16 : index
        %get3A_246 = tpu.vector_load %arg4[%get3A_244, %get3A_245] {strides = array<i32>} : memref<160x128xf32, #tpu.memory_space<vmem>>, vector<1x16xf32>,
        %get3A_247 = vector.shape_cast %get3A_246 : vector<1x16xf32> to vector<16xf32>
        %add3A_248 = arith.addf %add3A_239, %get3A_247 : vector<16xf32>
        %mul3A_249 = arith.constant 10 : i32
        %mul3A_250 = arith.muli %scan3A_121, %mul3A_249 : i32
        %add3A_251 = arith.constant 4 : i32
        %add3A_252 = arith.addi %mul3A_250, %add3A_251 : i32
        %get3A_253 = arith.index_cast %add3A_252 : i32 to index
        %get3A_254 = arith.constant 16 : index
        %get3A_255 = tpu.vector_load %arg4[%get3A_253, %get3A_254] {strides = array<i32>} : memref<160x128xf32, #tpu.memory_space<vmem>>, vector<1x16xf32>,
        %get3A_256 = vector.shape_cast %get3A_255 : vector<1x16xf32> to vector<16xf32>
        %add3A_257 = arith.addf %add3A_248, %get3A_256 : vector<16xf32>
        %mul3A_258 = arith.constant 10 : i32
        %mul3A_259 = arith.muli %scan3A_121, %mul3A_258 : i32
        %add3A_260 = arith.constant 5 : i32
        %add3A_261 = arith.addi %mul3A_259, %add3A_260 : i32
        %get3A_262 = arith.index_cast %add3A_261 : i32 to index
        %get3A_263 = arith.constant 16 : index
        %get3A_264 = tpu.vector_load %arg4[%get3A_262, %get3A_263] {strides = array<i32>} : memref<160x128xf32, #tpu.memory_space<vmem>>, vector<1x16xf32>,
        %get3A_265 = vector.shape_cast %get3A_264 : vector<1x16xf32> to vector<16xf32>
        %add3A_266 = arith.addf %add3A_257, %get3A_265 : vector<16xf32>
        %mul3A_267 = arith.constant 10 : i32
        %mul3A_268 = arith.muli %scan3A_121, %mul3A_267 : i32
        %add3A_269 = arith.constant 6 : i32
        %add3A_270 = arith.addi %mul3A_268, %add3A_269 : i32
        %get3A_271 = arith.index_cast %add3A_270 : i32 to index
        %get3A_272 = arith.constant 16 : index
        %get3A_273 = tpu.vector_load %arg4[%get3A_271, %get3A_272] {strides = array<i32>} : memref<160x128xf32, #tpu.memory_space<vmem>>, vector<1x16xf32>,
        %get3A_274 = vector.shape_cast %get3A_273 : vector<1x16xf32> to vector<16xf32>
        %add3A_275 = arith.addf %add3A_266, %get3A_274 : vector<16xf32>
        %mul3A_276 = arith.constant 10 : i32
        %mul3A_277 = arith.muli %scan3A_121, %mul3A_276 : i32
        %add3A_278 = arith.constant 7 : i32
        %add3A_279 = arith.addi %mul3A_277, %add3A_278 : i32
        %get3A_280 = arith.index_cast %add3A_279 : i32 to index
        %get3A_281 = arith.constant 16 : index
        %get3A_282 = tpu.vector_load %arg4[%get3A_280, %get3A_281] {strides = array<i32>} : memref<160x128xf32, #tpu.memory_space<vmem>>, vector<1x16xf32>,
        %get3A_283 = vector.shape_cast %get3A_282 : vector<1x16xf32> to vector<16xf32>
        %add3A_284 = arith.addf %add3A_275, %get3A_283 : vector<16xf32>
        %mul3A_285 = arith.constant 10 : i32
        %mul3A_286 = arith.muli %scan3A_121, %mul3A_285 : i32
        %add3A_287 = arith.constant 8 : i32
        %add3A_288 = arith.addi %mul3A_286, %add3A_287 : i32
        %get3A_289 = arith.index_cast %add3A_288 : i32 to index
        %get3A_290 = arith.constant 16 : index
        %get3A_291 = tpu.vector_load %arg4[%get3A_289, %get3A_290] {strides = array<i32>} : memref<160x128xf32, #tpu.memory_space<vmem>>, vector<1x16xf32>,
        %get3A_292 = vector.shape_cast %get3A_291 : vector<1x16xf32> to vector<16xf32>
        %add3A_293 = arith.addf %add3A_284, %get3A_292 : vector<16xf32>
        %mul3A_294 = arith.constant 10 : i32
        %mul3A_295 = arith.muli %scan3A_121, %mul3A_294 : i32
        %add3A_296 = arith.constant 9 : i32
        %add3A_297 = arith.addi %mul3A_295, %add3A_296 : i32
        %get3A_298 = arith.index_cast %add3A_297 : i32 to index
        %get3A_299 = arith.constant 16 : index
        %get3A_300 = tpu.vector_load %arg4[%get3A_298, %get3A_299] {strides = array<i32>} : memref<160x128xf32, #tpu.memory_space<vmem>>, vector<1x16xf32>,
        %get3A_301 = vector.shape_cast %get3A_300 : vector<1x16xf32> to vector<16xf32>
        %add3A_302 = arith.addf %add3A_293, %get3A_301 : vector<16xf32>
        %mul3A_303 = arith.constant 1.000000e-01 : f32
        %mul3A_304 = vector.broadcast %mul3A_303 : f32 to vector<16xf32>
        %mul3A_305 = arith.mulf %add3A_302, %mul3A_304 : vector<16xf32>
        %swap3A_306 = arith.index_cast %scan3A_121 : i32 to index
        %swap3A_307 = arith.constant 16 : index
        %swap3A_308 = tpu.vector_load %arg6[%swap3A_306, %swap3A_307] {strides = array<i32>} : memref<16x128xf32, #tpu.memory_space<vmem>>, vector<1x16xf32>,
        %swap3A_309 = vector.shape_cast %swap3A_308 : vector<1x16xf32> to vector<16xf32>
        %swap3A_310 = vector.shape_cast %mul3A_305 : vector<16xf32> to vector<1x16xf32>
        tpu.vector_store %arg6[%swap3A_306, %swap3A_307], %swap3A_310 {strides = array<i32>} : memref<16x128xf32, #tpu.memory_space<vmem>>, vector<1x16xf32>,
        %mul3A_311 = arith.constant 10 : i32
        %mul3A_312 = arith.muli %scan3A_121, %mul3A_311 : i32
        %get3A_313 = arith.index_cast %mul3A_312 : i32 to index
        %get3A_314 = arith.constant 32 : index
        %get3A_315 = tpu.vector_load %arg4[%get3A_313, %get3A_314] {strides = array<i32>} : memref<160x128xf32, #tpu.memory_space<vmem>>, vector<1x16xf32>,
        %get3A_316 = vector.shape_cast %get3A_315 : vector<1x16xf32> to vector<16xf32>
        %mul3A_317 = arith.constant 10 : i32
        %mul3A_318 = arith.muli %scan3A_121, %mul3A_317 : i32
        %add3A_319 = arith.constant 1 : i32
        %add3A_320 = arith.addi %mul3A_318, %add3A_319 : i32
        %get3A_321 = arith.index_cast %add3A_320 : i32 to index
        %get3A_322 = arith.constant 32 : index
        %get3A_323 = tpu.vector_load %arg4[%get3A_321, %get3A_322] {strides = array<i32>} : memref<160x128xf32, #tpu.memory_space<vmem>>, vector<1x16xf32>,
        %get3A_324 = vector.shape_cast %get3A_323 : vector<1x16xf32> to vector<16xf32>
        %add3A_325 = arith.addf %get3A_316, %get3A_324 : vector<16xf32>
        %mul3A_326 = arith.constant 10 : i32
        %mul3A_327 = arith.muli %scan3A_121, %mul3A_326 : i32
        %add3A_328 = arith.constant 2 : i32
        %add3A_329 = arith.addi %mul3A_327, %add3A_328 : i32
        %get3A_330 = arith.index_cast %add3A_329 : i32 to index
        %get3A_331 = arith.constant 32 : index
        %get3A_332 = tpu.vector_load %arg4[%get3A_330, %get3A_331] {strides = array<i32>} : memref<160x128xf32, #tpu.memory_space<vmem>>, vector<1x16xf32>,
        %get3A_333 = vector.shape_cast %get3A_332 : vector<1x16xf32> to vector<16xf32>
        %add3A_334 = arith.addf %add3A_325, %get3A_333 : vector<16xf32>
        %mul3A_335 = arith.constant 10 : i32
        %mul3A_336 = arith.muli %scan3A_121, %mul3A_335 : i32
        %add3A_337 = arith.constant 3 : i32
        %add3A_338 = arith.addi %mul3A_336, %add3A_337 : i32
        %get3A_339 = arith.index_cast %add3A_338 : i32 to index
        %get3A_340 = arith.constant 32 : index
        %get3A_341 = tpu.vector_load %arg4[%get3A_339, %get3A_340] {strides = array<i32>} : memref<160x128xf32, #tpu.memory_space<vmem>>, vector<1x16xf32>,
        %get3A_342 = vector.shape_cast %get3A_341 : vector<1x16xf32> to vector<16xf32>
        %add3A_343 = arith.addf %add3A_334, %get3A_342 : vector<16xf32>
        %mul3A_344 = arith.constant 10 : i32
        %mul3A_345 = arith.muli %scan3A_121, %mul3A_344 : i32
        %add3A_346 = arith.constant 4 : i32
        %add3A_347 = arith.addi %mul3A_345, %add3A_346 : i32
        %get3A_348 = arith.index_cast %add3A_347 : i32 to index
        %get3A_349 = arith.constant 32 : index
        %get3A_350 = tpu.vector_load %arg4[%get3A_348, %get3A_349] {strides = array<i32>} : memref<160x128xf32, #tpu.memory_space<vmem>>, vector<1x16xf32>,
        %get3A_351 = vector.shape_cast %get3A_350 : vector<1x16xf32> to vector<16xf32>
        %add3A_352 = arith.addf %add3A_343, %get3A_351 : vector<16xf32>
        %mul3A_353 = arith.constant 10 : i32
        %mul3A_354 = arith.muli %scan3A_121, %mul3A_353 : i32
        %add3A_355 = arith.constant 5 : i32
        %add3A_356 = arith.addi %mul3A_354, %add3A_355 : i32
        %get3A_357 = arith.index_cast %add3A_356 : i32 to index
        %get3A_358 = arith.constant 32 : index
        %get3A_359 = tpu.vector_load %arg4[%get3A_357, %get3A_358] {strides = array<i32>} : memref<160x128xf32, #tpu.memory_space<vmem>>, vector<1x16xf32>,
        %get3A_360 = vector.shape_cast %get3A_359 : vector<1x16xf32> to vector<16xf32>
        %add3A_361 = arith.addf %add3A_352, %get3A_360 : vector<16xf32>
        %mul3A_362 = arith.constant 10 : i32
        %mul3A_363 = arith.muli %scan3A_121, %mul3A_362 : i32
        %add3A_364 = arith.constant 6 : i32
        %add3A_365 = arith.addi %mul3A_363, %add3A_364 : i32
        %get3A_366 = arith.index_cast %add3A_365 : i32 to index
        %get3A_367 = arith.constant 32 : index
        %get3A_368 = tpu.vector_load %arg4[%get3A_366, %get3A_367] {strides = array<i32>} : memref<160x128xf32, #tpu.memory_space<vmem>>, vector<1x16xf32>,
        %get3A_369 = vector.shape_cast %get3A_368 : vector<1x16xf32> to vector<16xf32>
        %add3A_370 = arith.addf %add3A_361, %get3A_369 : vector<16xf32>
        %mul3A_371 = arith.constant 10 : i32
        %mul3A_372 = arith.muli %scan3A_121, %mul3A_371 : i32
        %add3A_373 = arith.constant 7 : i32
        %add3A_374 = arith.addi %mul3A_372, %add3A_373 : i32
        %get3A_375 = arith.index_cast %add3A_374 : i32 to index
        %get3A_376 = arith.constant 32 : index
        %get3A_377 = tpu.vector_load %arg4[%get3A_375, %get3A_376] {strides = array<i32>} : memref<160x128xf32, #tpu.memory_space<vmem>>, vector<1x16xf32>,
        %get3A_378 = vector.shape_cast %get3A_377 : vector<1x16xf32> to vector<16xf32>
        %add3A_379 = arith.addf %add3A_370, %get3A_378 : vector<16xf32>
        %mul3A_380 = arith.constant 10 : i32
        %mul3A_381 = arith.muli %scan3A_121, %mul3A_380 : i32
        %add3A_382 = arith.constant 8 : i32
        %add3A_383 = arith.addi %mul3A_381, %add3A_382 : i32
        %get3A_384 = arith.index_cast %add3A_383 : i32 to index
        %get3A_385 = arith.constant 32 : index
        %get3A_386 = tpu.vector_load %arg4[%get3A_384, %get3A_385] {strides = array<i32>} : memref<160x128xf32, #tpu.memory_space<vmem>>, vector<1x16xf32>,
        %get3A_387 = vector.shape_cast %get3A_386 : vector<1x16xf32> to vector<16xf32>
        %add3A_388 = arith.addf %add3A_379, %get3A_387 : vector<16xf32>
        %mul3A_389 = arith.constant 10 : i32
        %mul3A_390 = arith.muli %scan3A_121, %mul3A_389 : i32
        %add3A_391 = arith.constant 9 : i32
        %add3A_392 = arith.addi %mul3A_390, %add3A_391 : i32
        %get3A_393 = arith.index_cast %add3A_392 : i32 to index
        %get3A_394 = arith.constant 32 : index
        %get3A_395 = tpu.vector_load %arg4[%get3A_393, %get3A_394] {strides = array<i32>} : memref<160x128xf32, #tpu.memory_space<vmem>>, vector<1x16xf32>,
        %get3A_396 = vector.shape_cast %get3A_395 : vector<1x16xf32> to vector<16xf32>
        %add3A_397 = arith.addf %add3A_388, %get3A_396 : vector<16xf32>
        %mul3A_398 = arith.constant 1.000000e-01 : f32
        %mul3A_399 = vector.broadcast %mul3A_398 : f32 to vector<16xf32>
        %mul3A_400 = arith.mulf %add3A_397, %mul3A_399 : vector<16xf32>
        %swap3A_401 = arith.index_cast %scan3A_121 : i32 to index
        %swap3A_402 = arith.constant 32 : index
        %swap3A_403 = tpu.vector_load %arg6[%swap3A_401, %swap3A_402] {strides = array<i32>} : memref<16x128xf32, #tpu.memory_space<vmem>>, vector<1x16xf32>,
        %swap3A_404 = vector.shape_cast %swap3A_403 : vector<1x16xf32> to vector<16xf32>
        %swap3A_405 = vector.shape_cast %mul3A_400 : vector<16xf32> to vector<1x16xf32>
        tpu.vector_store %arg6[%swap3A_401, %swap3A_402], %swap3A_405 {strides = array<i32>} : memref<16x128xf32, #tpu.memory_space<vmem>>, vector<1x16xf32>,
        %mul3A_406 = arith.constant 10 : i32
        %mul3A_407 = arith.muli %scan3A_121, %mul3A_406 : i32
        %get3A_408 = arith.index_cast %mul3A_407 : i32 to index
        %get3A_409 = arith.constant 48 : index
        %get3A_410 = tpu.vector_load %arg4[%get3A_408, %get3A_409] {strides = array<i32>} : memref<160x128xf32, #tpu.memory_space<vmem>>, vector<1x16xf32>,
        %get3A_411 = vector.shape_cast %get3A_410 : vector<1x16xf32> to vector<16xf32>
        %mul3A_412 = arith.constant 10 : i32
        %mul3A_413 = arith.muli %scan3A_121, %mul3A_412 : i32
        %add3A_414 = arith.constant 1 : i32
        %add3A_415 = arith.addi %mul3A_413, %add3A_414 : i32
        %get3A_416 = arith.index_cast %add3A_415 : i32 to index
        %get3A_417 = arith.constant 48 : index
        %get3A_418 = tpu.vector_load %arg4[%get3A_416, %get3A_417] {strides = array<i32>} : memref<160x128xf32, #tpu.memory_space<vmem>>, vector<1x16xf32>,
        %get3A_419 = vector.shape_cast %get3A_418 : vector<1x16xf32> to vector<16xf32>
        %add3A_420 = arith.addf %get3A_411, %get3A_419 : vector<16xf32>
        %mul3A_421 = arith.constant 10 : i32
        %mul3A_422 = arith.muli %scan3A_121, %mul3A_421 : i32
        %add3A_423 = arith.constant 2 : i32
        %add3A_424 = arith.addi %mul3A_422, %add3A_423 : i32
        %get3A_425 = arith.index_cast %add3A_424 : i32 to index
        %get3A_426 = arith.constant 48 : index
        %get3A_427 = tpu.vector_load %arg4[%get3A_425, %get3A_426] {strides = array<i32>} : memref<160x128xf32, #tpu.memory_space<vmem>>, vector<1x16xf32>,
        %get3A_428 = vector.shape_cast %get3A_427 : vector<1x16xf32> to vector<16xf32>
        %add3A_429 = arith.addf %add3A_420, %get3A_428 : vector<16xf32>
        %mul3A_430 = arith.constant 10 : i32
        %mul3A_431 = arith.muli %scan3A_121, %mul3A_430 : i32
        %add3A_432 = arith.constant 3 : i32
        %add3A_433 = arith.addi %mul3A_431, %add3A_432 : i32
        %get3A_434 = arith.index_cast %add3A_433 : i32 to index
        %get3A_435 = arith.constant 48 : index
        %get3A_436 = tpu.vector_load %arg4[%get3A_434, %get3A_435] {strides = array<i32>} : memref<160x128xf32, #tpu.memory_space<vmem>>, vector<1x16xf32>,
        %get3A_437 = vector.shape_cast %get3A_436 : vector<1x16xf32> to vector<16xf32>
        %add3A_438 = arith.addf %add3A_429, %get3A_437 : vector<16xf32>
        %mul3A_439 = arith.constant 10 : i32
        %mul3A_440 = arith.muli %scan3A_121, %mul3A_439 : i32
        %add3A_441 = arith.constant 4 : i32
        %add3A_442 = arith.addi %mul3A_440, %add3A_441 : i32
        %get3A_443 = arith.index_cast %add3A_442 : i32 to index
        %get3A_444 = arith.constant 48 : index
        %get3A_445 = tpu.vector_load %arg4[%get3A_443, %get3A_444] {strides = array<i32>} : memref<160x128xf32, #tpu.memory_space<vmem>>, vector<1x16xf32>,
        %get3A_446 = vector.shape_cast %get3A_445 : vector<1x16xf32> to vector<16xf32>
        %add3A_447 = arith.addf %add3A_438, %get3A_446 : vector<16xf32>
        %mul3A_448 = arith.constant 10 : i32
        %mul3A_449 = arith.muli %scan3A_121, %mul3A_448 : i32
        %add3A_450 = arith.constant 5 : i32
        %add3A_451 = arith.addi %mul3A_449, %add3A_450 : i32
        %get3A_452 = arith.index_cast %add3A_451 : i32 to index
        %get3A_453 = arith.constant 48 : index
        %get3A_454 = tpu.vector_load %arg4[%get3A_452, %get3A_453] {strides = array<i32>} : memref<160x128xf32, #tpu.memory_space<vmem>>, vector<1x16xf32>,
        %get3A_455 = vector.shape_cast %get3A_454 : vector<1x16xf32> to vector<16xf32>
        %add3A_456 = arith.addf %add3A_447, %get3A_455 : vector<16xf32>
        %mul3A_457 = arith.constant 10 : i32
        %mul3A_458 = arith.muli %scan3A_121, %mul3A_457 : i32
        %add3A_459 = arith.constant 6 : i32
        %add3A_460 = arith.addi %mul3A_458, %add3A_459 : i32
        %get3A_461 = arith.index_cast %add3A_460 : i32 to index
        %get3A_462 = arith.constant 48 : index
        %get3A_463 = tpu.vector_load %arg4[%get3A_461, %get3A_462] {strides = array<i32>} : memref<160x128xf32, #tpu.memory_space<vmem>>, vector<1x16xf32>,
        %get3A_464 = vector.shape_cast %get3A_463 : vector<1x16xf32> to vector<16xf32>
        %add3A_465 = arith.addf %add3A_456, %get3A_464 : vector<16xf32>
        %mul3A_466 = arith.constant 10 : i32
        %mul3A_467 = arith.muli %scan3A_121, %mul3A_466 : i32
        %add3A_468 = arith.constant 7 : i32
        %add3A_469 = arith.addi %mul3A_467, %add3A_468 : i32
        %get3A_470 = arith.index_cast %add3A_469 : i32 to index
        %get3A_471 = arith.constant 48 : index
        %get3A_472 = tpu.vector_load %arg4[%get3A_470, %get3A_471] {strides = array<i32>} : memref<160x128xf32, #tpu.memory_space<vmem>>, vector<1x16xf32>,
        %get3A_473 = vector.shape_cast %get3A_472 : vector<1x16xf32> to vector<16xf32>
        %add3A_474 = arith.addf %add3A_465, %get3A_473 : vector<16xf32>
        %mul3A_475 = arith.constant 10 : i32
        %mul3A_476 = arith.muli %scan3A_121, %mul3A_475 : i32
        %add3A_477 = arith.constant 8 : i32
        %add3A_478 = arith.addi %mul3A_476, %add3A_477 : i32
        %get3A_479 = arith.index_cast %add3A_478 : i32 to index
        %get3A_480 = arith.constant 48 : index
        %get3A_481 = tpu.vector_load %arg4[%get3A_479, %get3A_480] {strides = array<i32>} : memref<160x128xf32, #tpu.memory_space<vmem>>, vector<1x16xf32>,
        %get3A_482 = vector.shape_cast %get3A_481 : vector<1x16xf32> to vector<16xf32>
        %add3A_483 = arith.addf %add3A_474, %get3A_482 : vector<16xf32>
        %mul3A_484 = arith.constant 10 : i32
        %mul3A_485 = arith.muli %scan3A_121, %mul3A_484 : i32
        %add3A_486 = arith.constant 9 : i32
        %add3A_487 = arith.addi %mul3A_485, %add3A_486 : i32
        %get3A_488 = arith.index_cast %add3A_487 : i32 to index
        %get3A_489 = arith.constant 48 : index
        %get3A_490 = tpu.vector_load %arg4[%get3A_488, %get3A_489] {strides = array<i32>} : memref<160x128xf32, #tpu.memory_space<vmem>>, vector<1x16xf32>,
        %get3A_491 = vector.shape_cast %get3A_490 : vector<1x16xf32> to vector<16xf32>
        %add3A_492 = arith.addf %add3A_483, %get3A_491 : vector<16xf32>
        %mul3A_493 = arith.constant 1.000000e-01 : f32
        %mul3A_494 = vector.broadcast %mul3A_493 : f32 to vector<16xf32>
        %mul3A_495 = arith.mulf %add3A_492, %mul3A_494 : vector<16xf32>
        %swap3A_496 = arith.index_cast %scan3A_121 : i32 to index
        %swap3A_497 = arith.constant 48 : index
        %swap3A_498 = tpu.vector_load %arg6[%swap3A_496, %swap3A_497] {strides = array<i32>} : memref<16x128xf32, #tpu.memory_space<vmem>>, vector<1x16xf32>,
        %swap3A_499 = vector.shape_cast %swap3A_498 : vector<1x16xf32> to vector<16xf32>
        %swap3A_500 = vector.shape_cast %mul3A_495 : vector<16xf32> to vector<1x16xf32>
        tpu.vector_store %arg6[%swap3A_496, %swap3A_497], %swap3A_500 {strides = array<i32>} : memref<16x128xf32, #tpu.memory_space<vmem>>, vector<1x16xf32>,
        %mul3A_501 = arith.constant 10 : i32
        %mul3A_502 = arith.muli %scan3A_121, %mul3A_501 : i32
        %get3A_503 = arith.index_cast %mul3A_502 : i32 to index
        %get3A_504 = arith.constant 64 : index
        %get3A_505 = tpu.vector_load %arg4[%get3A_503, %get3A_504] {strides = array<i32>} : memref<160x128xf32, #tpu.memory_space<vmem>>, vector<1x16xf32>,
        %get3A_506 = vector.shape_cast %get3A_505 : vector<1x16xf32> to vector<16xf32>
        %mul3A_507 = arith.constant 10 : i32
        %mul3A_508 = arith.muli %scan3A_121, %mul3A_507 : i32
        %add3A_509 = arith.constant 1 : i32
        %add3A_510 = arith.addi %mul3A_508, %add3A_509 : i32
        %get3A_511 = arith.index_cast %add3A_510 : i32 to index
        %get3A_512 = arith.constant 64 : index
        %get3A_513 = tpu.vector_load %arg4[%get3A_511, %get3A_512] {strides = array<i32>} : memref<160x128xf32, #tpu.memory_space<vmem>>, vector<1x16xf32>,
        %get3A_514 = vector.shape_cast %get3A_513 : vector<1x16xf32> to vector<16xf32>
        %add3A_515 = arith.addf %get3A_506, %get3A_514 : vector<16xf32>
        %mul3A_516 = arith.constant 10 : i32
        %mul3A_517 = arith.muli %scan3A_121, %mul3A_516 : i32
        %add3A_518 = arith.constant 2 : i32
        %add3A_519 = arith.addi %mul3A_517, %add3A_518 : i32
        %get3A_520 = arith.index_cast %add3A_519 : i32 to index
        %get3A_521 = arith.constant 64 : index
        %get3A_522 = tpu.vector_load %arg4[%get3A_520, %get3A_521] {strides = array<i32>} : memref<160x128xf32, #tpu.memory_space<vmem>>, vector<1x16xf32>,
        %get3A_523 = vector.shape_cast %get3A_522 : vector<1x16xf32> to vector<16xf32>
        %add3A_524 = arith.addf %add3A_515, %get3A_523 : vector<16xf32>
        %mul3A_525 = arith.constant 10 : i32
        %mul3A_526 = arith.muli %scan3A_121, %mul3A_525 : i32
        %add3A_527 = arith.constant 3 : i32
        %add3A_528 = arith.addi %mul3A_526, %add3A_527 : i32
        %get3A_529 = arith.index_cast %add3A_528 : i32 to index
        %get3A_530 = arith.constant 64 : index
        %get3A_531 = tpu.vector_load %arg4[%get3A_529, %get3A_530] {strides = array<i32>} : memref<160x128xf32, #tpu.memory_space<vmem>>, vector<1x16xf32>,
        %get3A_532 = vector.shape_cast %get3A_531 : vector<1x16xf32> to vector<16xf32>
        %add3A_533 = arith.addf %add3A_524, %get3A_532 : vector<16xf32>
        %mul3A_534 = arith.constant 10 : i32
        %mul3A_535 = arith.muli %scan3A_121, %mul3A_534 : i32
        %add3A_536 = arith.constant 4 : i32
        %add3A_537 = arith.addi %mul3A_535, %add3A_536 : i32
        %get3A_538 = arith.index_cast %add3A_537 : i32 to index
        %get3A_539 = arith.constant 64 : index
        %get3A_540 = tpu.vector_load %arg4[%get3A_538, %get3A_539] {strides = array<i32>} : memref<160x128xf32, #tpu.memory_space<vmem>>, vector<1x16xf32>,
        %get3A_541 = vector.shape_cast %get3A_540 : vector<1x16xf32> to vector<16xf32>
        %add3A_542 = arith.addf %add3A_533, %get3A_541 : vector<16xf32>
        %mul3A_543 = arith.constant 10 : i32
        %mul3A_544 = arith.muli %scan3A_121, %mul3A_543 : i32
        %add3A_545 = arith.constant 5 : i32
        %add3A_546 = arith.addi %mul3A_544, %add3A_545 : i32
        %get3A_547 = arith.index_cast %add3A_546 : i32 to index
        %get3A_548 = arith.constant 64 : index
        %get3A_549 = tpu.vector_load %arg4[%get3A_547, %get3A_548] {strides = array<i32>} : memref<160x128xf32, #tpu.memory_space<vmem>>, vector<1x16xf32>,
        %get3A_550 = vector.shape_cast %get3A_549 : vector<1x16xf32> to vector<16xf32>
        %add3A_551 = arith.addf %add3A_542, %get3A_550 : vector<16xf32>
        %mul3A_552 = arith.constant 10 : i32
        %mul3A_553 = arith.muli %scan3A_121, %mul3A_552 : i32
        %add3A_554 = arith.constant 6 : i32
        %add3A_555 = arith.addi %mul3A_553, %add3A_554 : i32
        %get3A_556 = arith.index_cast %add3A_555 : i32 to index
        %get3A_557 = arith.constant 64 : index
        %get3A_558 = tpu.vector_load %arg4[%get3A_556, %get3A_557] {strides = array<i32>} : memref<160x128xf32, #tpu.memory_space<vmem>>, vector<1x16xf32>,
        %get3A_559 = vector.shape_cast %get3A_558 : vector<1x16xf32> to vector<16xf32>
        %add3A_560 = arith.addf %add3A_551, %get3A_559 : vector<16xf32>
        %mul3A_561 = arith.constant 10 : i32
        %mul3A_562 = arith.muli %scan3A_121, %mul3A_561 : i32
        %add3A_563 = arith.constant 7 : i32
        %add3A_564 = arith.addi %mul3A_562, %add3A_563 : i32
        %get3A_565 = arith.index_cast %add3A_564 : i32 to index
        %get3A_566 = arith.constant 64 : index
        %get3A_567 = tpu.vector_load %arg4[%get3A_565, %get3A_566] {strides = array<i32>} : memref<160x128xf32, #tpu.memory_space<vmem>>, vector<1x16xf32>,
        %get3A_568 = vector.shape_cast %get3A_567 : vector<1x16xf32> to vector<16xf32>
        %add3A_569 = arith.addf %add3A_560, %get3A_568 : vector<16xf32>
        %mul3A_570 = arith.constant 10 : i32
        %mul3A_571 = arith.muli %scan3A_121, %mul3A_570 : i32
        %add3A_572 = arith.constant 8 : i32
        %add3A_573 = arith.addi %mul3A_571, %add3A_572 : i32
        %get3A_574 = arith.index_cast %add3A_573 : i32 to index
        %get3A_575 = arith.constant 64 : index
        %get3A_576 = tpu.vector_load %arg4[%get3A_574, %get3A_575] {strides = array<i32>} : memref<160x128xf32, #tpu.memory_space<vmem>>, vector<1x16xf32>,
        %get3A_577 = vector.shape_cast %get3A_576 : vector<1x16xf32> to vector<16xf32>
        %add3A_578 = arith.addf %add3A_569, %get3A_577 : vector<16xf32>
        %mul3A_579 = arith.constant 10 : i32
        %mul3A_580 = arith.muli %scan3A_121, %mul3A_579 : i32
        %add3A_581 = arith.constant 9 : i32
        %add3A_582 = arith.addi %mul3A_580, %add3A_581 : i32
        %get3A_583 = arith.index_cast %add3A_582 : i32 to index
        %get3A_584 = arith.constant 64 : index
        %get3A_585 = tpu.vector_load %arg4[%get3A_583, %get3A_584] {strides = array<i32>} : memref<160x128xf32, #tpu.memory_space<vmem>>, vector<1x16xf32>,
        %get3A_586 = vector.shape_cast %get3A_585 : vector<1x16xf32> to vector<16xf32>
        %add3A_587 = arith.addf %add3A_578, %get3A_586 : vector<16xf32>
        %mul3A_588 = arith.constant 1.000000e-01 : f32
        %mul3A_589 = vector.broadcast %mul3A_588 : f32 to vector<16xf32>
        %mul3A_590 = arith.mulf %add3A_587, %mul3A_589 : vector<16xf32>
        %swap3A_591 = arith.index_cast %scan3A_121 : i32 to index
        %swap3A_592 = arith.constant 64 : index
        %swap3A_593 = tpu.vector_load %arg6[%swap3A_591, %swap3A_592] {strides = array<i32>} : memref<16x128xf32, #tpu.memory_space<vmem>>, vector<1x16xf32>,
        %swap3A_594 = vector.shape_cast %swap3A_593 : vector<1x16xf32> to vector<16xf32>
        %swap3A_595 = vector.shape_cast %mul3A_590 : vector<16xf32> to vector<1x16xf32>
        tpu.vector_store %arg6[%swap3A_591, %swap3A_592], %swap3A_595 {strides = array<i32>} : memref<16x128xf32, #tpu.memory_space<vmem>>, vector<1x16xf32>,
        %mul3A_596 = arith.constant 10 : i32
        %mul3A_597 = arith.muli %scan3A_121, %mul3A_596 : i32
        %get3A_598 = arith.index_cast %mul3A_597 : i32 to index
        %get3A_599 = arith.constant 80 : index
        %get3A_600 = tpu.vector_load %arg4[%get3A_598, %get3A_599] {strides = array<i32>} : memref<160x128xf32, #tpu.memory_space<vmem>>, vector<1x16xf32>,
        %get3A_601 = vector.shape_cast %get3A_600 : vector<1x16xf32> to vector<16xf32>
        %mul3A_602 = arith.constant 10 : i32
        %mul3A_603 = arith.muli %scan3A_121, %mul3A_602 : i32
        %add3A_604 = arith.constant 1 : i32
        %add3A_605 = arith.addi %mul3A_603, %add3A_604 : i32
        %get3A_606 = arith.index_cast %add3A_605 : i32 to index
        %get3A_607 = arith.constant 80 : index
        %get3A_608 = tpu.vector_load %arg4[%get3A_606, %get3A_607] {strides = array<i32>} : memref<160x128xf32, #tpu.memory_space<vmem>>, vector<1x16xf32>,
        %get3A_609 = vector.shape_cast %get3A_608 : vector<1x16xf32> to vector<16xf32>
        %add3A_610 = arith.addf %get3A_601, %get3A_609 : vector<16xf32>
        %mul3A_611 = arith.constant 10 : i32
        %mul3A_612 = arith.muli %scan3A_121, %mul3A_611 : i32
        %add3A_613 = arith.constant 2 : i32
        %add3A_614 = arith.addi %mul3A_612, %add3A_613 : i32
        %get3A_615 = arith.index_cast %add3A_614 : i32 to index
        %get3A_616 = arith.constant 80 : index
        %get3A_617 = tpu.vector_load %arg4[%get3A_615, %get3A_616] {strides = array<i32>} : memref<160x128xf32, #tpu.memory_space<vmem>>, vector<1x16xf32>,
        %get3A_618 = vector.shape_cast %get3A_617 : vector<1x16xf32> to vector<16xf32>
        %add3A_619 = arith.addf %add3A_610, %get3A_618 : vector<16xf32>
        %mul3A_620 = arith.constant 10 : i32
        %mul3A_621 = arith.muli %scan3A_121, %mul3A_620 : i32
        %add3A_622 = arith.constant 3 : i32
        %add3A_623 = arith.addi %mul3A_621, %add3A_622 : i32
        %get3A_624 = arith.index_cast %add3A_623 : i32 to index
        %get3A_625 = arith.constant 80 : index
        %get3A_626 = tpu.vector_load %arg4[%get3A_624, %get3A_625] {strides = array<i32>} : memref<160x128xf32, #tpu.memory_space<vmem>>, vector<1x16xf32>,
        %get3A_627 = vector.shape_cast %get3A_626 : vector<1x16xf32> to vector<16xf32>
        %add3A_628 = arith.addf %add3A_619, %get3A_627 : vector<16xf32>
        %mul3A_629 = arith.constant 10 : i32
        %mul3A_630 = arith.muli %scan3A_121, %mul3A_629 : i32
        %add3A_631 = arith.constant 4 : i32
        %add3A_632 = arith.addi %mul3A_630, %add3A_631 : i32
        %get3A_633 = arith.index_cast %add3A_632 : i32 to index
        %get3A_634 = arith.constant 80 : index
        %get3A_635 = tpu.vector_load %arg4[%get3A_633, %get3A_634] {strides = array<i32>} : memref<160x128xf32, #tpu.memory_space<vmem>>, vector<1x16xf32>,
        %get3A_636 = vector.shape_cast %get3A_635 : vector<1x16xf32> to vector<16xf32>
        %add3A_637 = arith.addf %add3A_628, %get3A_636 : vector<16xf32>
        %mul3A_638 = arith.constant 10 : i32
        %mul3A_639 = arith.muli %scan3A_121, %mul3A_638 : i32
        %add3A_640 = arith.constant 5 : i32
        %add3A_641 = arith.addi %mul3A_639, %add3A_640 : i32
        %get3A_642 = arith.index_cast %add3A_641 : i32 to index
        %get3A_643 = arith.constant 80 : index
        %get3A_644 = tpu.vector_load %arg4[%get3A_642, %get3A_643] {strides = array<i32>} : memref<160x128xf32, #tpu.memory_space<vmem>>, vector<1x16xf32>,
        %get3A_645 = vector.shape_cast %get3A_644 : vector<1x16xf32> to vector<16xf32>
        %add3A_646 = arith.addf %add3A_637, %get3A_645 : vector<16xf32>
        %mul3A_647 = arith.constant 10 : i32
        %mul3A_648 = arith.muli %scan3A_121, %mul3A_647 : i32
        %add3A_649 = arith.constant 6 : i32
        %add3A_650 = arith.addi %mul3A_648, %add3A_649 : i32
        %get3A_651 = arith.index_cast %add3A_650 : i32 to index
        %get3A_652 = arith.constant 80 : index
        %get3A_653 = tpu.vector_load %arg4[%get3A_651, %get3A_652] {strides = array<i32>} : memref<160x128xf32, #tpu.memory_space<vmem>>, vector<1x16xf32>,
        %get3A_654 = vector.shape_cast %get3A_653 : vector<1x16xf32> to vector<16xf32>
        %add3A_655 = arith.addf %add3A_646, %get3A_654 : vector<16xf32>
        %mul3A_656 = arith.constant 10 : i32
        %mul3A_657 = arith.muli %scan3A_121, %mul3A_656 : i32
        %add3A_658 = arith.constant 7 : i32
        %add3A_659 = arith.addi %mul3A_657, %add3A_658 : i32
        %get3A_660 = arith.index_cast %add3A_659 : i32 to index
        %get3A_661 = arith.constant 80 : index
        %get3A_662 = tpu.vector_load %arg4[%get3A_660, %get3A_661] {strides = array<i32>} : memref<160x128xf32, #tpu.memory_space<vmem>>, vector<1x16xf32>,
        %get3A_663 = vector.shape_cast %get3A_662 : vector<1x16xf32> to vector<16xf32>
        %add3A_664 = arith.addf %add3A_655, %get3A_663 : vector<16xf32>
        %mul3A_665 = arith.constant 10 : i32
        %mul3A_666 = arith.muli %scan3A_121, %mul3A_665 : i32
        %add3A_667 = arith.constant 8 : i32
        %add3A_668 = arith.addi %mul3A_666, %add3A_667 : i32
        %get3A_669 = arith.index_cast %add3A_668 : i32 to index
        %get3A_670 = arith.constant 80 : index
        %get3A_671 = tpu.vector_load %arg4[%get3A_669, %get3A_670] {strides = array<i32>} : memref<160x128xf32, #tpu.memory_space<vmem>>, vector<1x16xf32>,
        %get3A_672 = vector.shape_cast %get3A_671 : vector<1x16xf32> to vector<16xf32>
        %add3A_673 = arith.addf %add3A_664, %get3A_672 : vector<16xf32>
        %mul3A_674 = arith.constant 10 : i32
        %mul3A_675 = arith.muli %scan3A_121, %mul3A_674 : i32
        %add3A_676 = arith.constant 9 : i32
        %add3A_677 = arith.addi %mul3A_675, %add3A_676 : i32
        %get3A_678 = arith.index_cast %add3A_677 : i32 to index
        %get3A_679 = arith.constant 80 : index
        %get3A_680 = tpu.vector_load %arg4[%get3A_678, %get3A_679] {strides = array<i32>} : memref<160x128xf32, #tpu.memory_space<vmem>>, vector<1x16xf32>,
        %get3A_681 = vector.shape_cast %get3A_680 : vector<1x16xf32> to vector<16xf32>
        %add3A_682 = arith.addf %add3A_673, %get3A_681 : vector<16xf32>
        %mul3A_683 = arith.constant 1.000000e-01 : f32
        %mul3A_684 = vector.broadcast %mul3A_683 : f32 to vector<16xf32>
        %mul3A_685 = arith.mulf %add3A_682, %mul3A_684 : vector<16xf32>
        %swap3A_686 = arith.index_cast %scan3A_121 : i32 to index
        %swap3A_687 = arith.constant 80 : index
        %swap3A_688 = tpu.vector_load %arg6[%swap3A_686, %swap3A_687] {strides = array<i32>} : memref<16x128xf32, #tpu.memory_space<vmem>>, vector<1x16xf32>,
        %swap3A_689 = vector.shape_cast %swap3A_688 : vector<1x16xf32> to vector<16xf32>
        %swap3A_690 = vector.shape_cast %mul3A_685 : vector<16xf32> to vector<1x16xf32>
        tpu.vector_store %arg6[%swap3A_686, %swap3A_687], %swap3A_690 {strides = array<i32>} : memref<16x128xf32, #tpu.memory_space<vmem>>, vector<1x16xf32>,
        %mul3A_691 = arith.constant 10 : i32
        %mul3A_692 = arith.muli %scan3A_121, %mul3A_691 : i32
        %get3A_693 = arith.index_cast %mul3A_692 : i32 to index
        %get3A_694 = arith.constant 96 : index
        %get3A_695 = tpu.vector_load %arg4[%get3A_693, %get3A_694] {strides = array<i32>} : memref<160x128xf32, #tpu.memory_space<vmem>>, vector<1x16xf32>,
        %get3A_696 = vector.shape_cast %get3A_695 : vector<1x16xf32> to vector<16xf32>
        %mul3A_697 = arith.constant 10 : i32
        %mul3A_698 = arith.muli %scan3A_121, %mul3A_697 : i32
        %add3A_699 = arith.constant 1 : i32
        %add3A_700 = arith.addi %mul3A_698, %add3A_699 : i32
        %get3A_701 = arith.index_cast %add3A_700 : i32 to index
        %get3A_702 = arith.constant 96 : index
        %get3A_703 = tpu.vector_load %arg4[%get3A_701, %get3A_702] {strides = array<i32>} : memref<160x128xf32, #tpu.memory_space<vmem>>, vector<1x16xf32>,
        %get3A_704 = vector.shape_cast %get3A_703 : vector<1x16xf32> to vector<16xf32>
        %add3A_705 = arith.addf %get3A_696, %get3A_704 : vector<16xf32>
        %mul3A_706 = arith.constant 10 : i32
        %mul3A_707 = arith.muli %scan3A_121, %mul3A_706 : i32
        %add3A_708 = arith.constant 2 : i32
        %add3A_709 = arith.addi %mul3A_707, %add3A_708 : i32
        %get3A_710 = arith.index_cast %add3A_709 : i32 to index
        %get3A_711 = arith.constant 96 : index
        %get3A_712 = tpu.vector_load %arg4[%get3A_710, %get3A_711] {strides = array<i32>} : memref<160x128xf32, #tpu.memory_space<vmem>>, vector<1x16xf32>,
        %get3A_713 = vector.shape_cast %get3A_712 : vector<1x16xf32> to vector<16xf32>
        %add3A_714 = arith.addf %add3A_705, %get3A_713 : vector<16xf32>
        %mul3A_715 = arith.constant 10 : i32
        %mul3A_716 = arith.muli %scan3A_121, %mul3A_715 : i32
        %add3A_717 = arith.constant 3 : i32
        %add3A_718 = arith.addi %mul3A_716, %add3A_717 : i32
        %get3A_719 = arith.index_cast %add3A_718 : i32 to index
        %get3A_720 = arith.constant 96 : index
        %get3A_721 = tpu.vector_load %arg4[%get3A_719, %get3A_720] {strides = array<i32>} : memref<160x128xf32, #tpu.memory_space<vmem>>, vector<1x16xf32>,
        %get3A_722 = vector.shape_cast %get3A_721 : vector<1x16xf32> to vector<16xf32>
        %add3A_723 = arith.addf %add3A_714, %get3A_722 : vector<16xf32>
        %mul3A_724 = arith.constant 10 : i32
        %mul3A_725 = arith.muli %scan3A_121, %mul3A_724 : i32
        %add3A_726 = arith.constant 4 : i32
        %add3A_727 = arith.addi %mul3A_725, %add3A_726 : i32
        %get3A_728 = arith.index_cast %add3A_727 : i32 to index
        %get3A_729 = arith.constant 96 : index
        %get3A_730 = tpu.vector_load %arg4[%get3A_728, %get3A_729] {strides = array<i32>} : memref<160x128xf32, #tpu.memory_space<vmem>>, vector<1x16xf32>,
        %get3A_731 = vector.shape_cast %get3A_730 : vector<1x16xf32> to vector<16xf32>
        %add3A_732 = arith.addf %add3A_723, %get3A_731 : vector<16xf32>
        %mul3A_733 = arith.constant 10 : i32
        %mul3A_734 = arith.muli %scan3A_121, %mul3A_733 : i32
        %add3A_735 = arith.constant 5 : i32
        %add3A_736 = arith.addi %mul3A_734, %add3A_735 : i32
        %get3A_737 = arith.index_cast %add3A_736 : i32 to index
        %get3A_738 = arith.constant 96 : index
        %get3A_739 = tpu.vector_load %arg4[%get3A_737, %get3A_738] {strides = array<i32>} : memref<160x128xf32, #tpu.memory_space<vmem>>, vector<1x16xf32>,
        %get3A_740 = vector.shape_cast %get3A_739 : vector<1x16xf32> to vector<16xf32>
        %add3A_741 = arith.addf %add3A_732, %get3A_740 : vector<16xf32>
        %mul3A_742 = arith.constant 10 : i32
        %mul3A_743 = arith.muli %scan3A_121, %mul3A_742 : i32
        %add3A_744 = arith.constant 6 : i32
        %add3A_745 = arith.addi %mul3A_743, %add3A_744 : i32
        %get3A_746 = arith.index_cast %add3A_745 : i32 to index
        %get3A_747 = arith.constant 96 : index
        %get3A_748 = tpu.vector_load %arg4[%get3A_746, %get3A_747] {strides = array<i32>} : memref<160x128xf32, #tpu.memory_space<vmem>>, vector<1x16xf32>,
        %get3A_749 = vector.shape_cast %get3A_748 : vector<1x16xf32> to vector<16xf32>
        %add3A_750 = arith.addf %add3A_741, %get3A_749 : vector<16xf32>
        %mul3A_751 = arith.constant 10 : i32
        %mul3A_752 = arith.muli %scan3A_121, %mul3A_751 : i32
        %add3A_753 = arith.constant 7 : i32
        %add3A_754 = arith.addi %mul3A_752, %add3A_753 : i32
        %get3A_755 = arith.index_cast %add3A_754 : i32 to index
        %get3A_756 = arith.constant 96 : index
        %get3A_757 = tpu.vector_load %arg4[%get3A_755, %get3A_756] {strides = array<i32>} : memref<160x128xf32, #tpu.memory_space<vmem>>, vector<1x16xf32>,
        %get3A_758 = vector.shape_cast %get3A_757 : vector<1x16xf32> to vector<16xf32>
        %add3A_759 = arith.addf %add3A_750, %get3A_758 : vector<16xf32>
        %mul3A_760 = arith.constant 10 : i32
        %mul3A_761 = arith.muli %scan3A_121, %mul3A_760 : i32
        %add3A_762 = arith.constant 8 : i32
        %add3A_763 = arith.addi %mul3A_761, %add3A_762 : i32
        %get3A_764 = arith.index_cast %add3A_763 : i32 to index
        %get3A_765 = arith.constant 96 : index
        %get3A_766 = tpu.vector_load %arg4[%get3A_764, %get3A_765] {strides = array<i32>} : memref<160x128xf32, #tpu.memory_space<vmem>>, vector<1x16xf32>,
        %get3A_767 = vector.shape_cast %get3A_766 : vector<1x16xf32> to vector<16xf32>
        %add3A_768 = arith.addf %add3A_759, %get3A_767 : vector<16xf32>
        %mul3A_769 = arith.constant 10 : i32
        %mul3A_770 = arith.muli %scan3A_121, %mul3A_769 : i32
        %add3A_771 = arith.constant 9 : i32
        %add3A_772 = arith.addi %mul3A_770, %add3A_771 : i32
        %get3A_773 = arith.index_cast %add3A_772 : i32 to index
        %get3A_774 = arith.constant 96 : index
        %get3A_775 = tpu.vector_load %arg4[%get3A_773, %get3A_774] {strides = array<i32>} : memref<160x128xf32, #tpu.memory_space<vmem>>, vector<1x16xf32>,
        %get3A_776 = vector.shape_cast %get3A_775 : vector<1x16xf32> to vector<16xf32>
        %add3A_777 = arith.addf %add3A_768, %get3A_776 : vector<16xf32>
        %mul3A_778 = arith.constant 1.000000e-01 : f32
        %mul3A_779 = vector.broadcast %mul3A_778 : f32 to vector<16xf32>
        %mul3A_780 = arith.mulf %add3A_777, %mul3A_779 : vector<16xf32>
        %swap3A_781 = arith.index_cast %scan3A_121 : i32 to index
        %swap3A_782 = arith.constant 96 : index
        %swap3A_783 = tpu.vector_load %arg6[%swap3A_781, %swap3A_782] {strides = array<i32>} : memref<16x128xf32, #tpu.memory_space<vmem>>, vector<1x16xf32>,
        %swap3A_784 = vector.shape_cast %swap3A_783 : vector<1x16xf32> to vector<16xf32>
        %swap3A_785 = vector.shape_cast %mul3A_780 : vector<16xf32> to vector<1x16xf32>
        tpu.vector_store %arg6[%swap3A_781, %swap3A_782], %swap3A_785 {strides = array<i32>} : memref<16x128xf32, #tpu.memory_space<vmem>>, vector<1x16xf32>,
        %mul3A_786 = arith.constant 10 : i32
        %mul3A_787 = arith.muli %scan3A_121, %mul3A_786 : i32
        %get3A_788 = arith.index_cast %mul3A_787 : i32 to index
        %get3A_789 = arith.constant 112 : index
        %get3A_790 = tpu.vector_load %arg4[%get3A_788, %get3A_789] {strides = array<i32>} : memref<160x128xf32, #tpu.memory_space<vmem>>, vector<1x16xf32>,
        %get3A_791 = vector.shape_cast %get3A_790 : vector<1x16xf32> to vector<16xf32>
        %mul3A_792 = arith.constant 10 : i32
        %mul3A_793 = arith.muli %scan3A_121, %mul3A_792 : i32
        %add3A_794 = arith.constant 1 : i32
        %add3A_795 = arith.addi %mul3A_793, %add3A_794 : i32
        %get3A_796 = arith.index_cast %add3A_795 : i32 to index
        %get3A_797 = arith.constant 112 : index
        %get3A_798 = tpu.vector_load %arg4[%get3A_796, %get3A_797] {strides = array<i32>} : memref<160x128xf32, #tpu.memory_space<vmem>>, vector<1x16xf32>,
        %get3A_799 = vector.shape_cast %get3A_798 : vector<1x16xf32> to vector<16xf32>
        %add3A_800 = arith.addf %get3A_791, %get3A_799 : vector<16xf32>
        %mul3A_801 = arith.constant 10 : i32
        %mul3A_802 = arith.muli %scan3A_121, %mul3A_801 : i32
        %add3A_803 = arith.constant 2 : i32
        %add3A_804 = arith.addi %mul3A_802, %add3A_803 : i32
        %get3A_805 = arith.index_cast %add3A_804 : i32 to index
        %get3A_806 = arith.constant 112 : index
        %get3A_807 = tpu.vector_load %arg4[%get3A_805, %get3A_806] {strides = array<i32>} : memref<160x128xf32, #tpu.memory_space<vmem>>, vector<1x16xf32>,
        %get3A_808 = vector.shape_cast %get3A_807 : vector<1x16xf32> to vector<16xf32>
        %add3A_809 = arith.addf %add3A_800, %get3A_808 : vector<16xf32>
        %mul3A_810 = arith.constant 10 : i32
        %mul3A_811 = arith.muli %scan3A_121, %mul3A_810 : i32
        %add3A_812 = arith.constant 3 : i32
        %add3A_813 = arith.addi %mul3A_811, %add3A_812 : i32
        %get3A_814 = arith.index_cast %add3A_813 : i32 to index
        %get3A_815 = arith.constant 112 : index
        %get3A_816 = tpu.vector_load %arg4[%get3A_814, %get3A_815] {strides = array<i32>} : memref<160x128xf32, #tpu.memory_space<vmem>>, vector<1x16xf32>,
        %get3A_817 = vector.shape_cast %get3A_816 : vector<1x16xf32> to vector<16xf32>
        %add3A_818 = arith.addf %add3A_809, %get3A_817 : vector<16xf32>
        %mul3A_819 = arith.constant 10 : i32
        %mul3A_820 = arith.muli %scan3A_121, %mul3A_819 : i32
        %add3A_821 = arith.constant 4 : i32
        %add3A_822 = arith.addi %mul3A_820, %add3A_821 : i32
        %get3A_823 = arith.index_cast %add3A_822 : i32 to index
        %get3A_824 = arith.constant 112 : index
        %get3A_825 = tpu.vector_load %arg4[%get3A_823, %get3A_824] {strides = array<i32>} : memref<160x128xf32, #tpu.memory_space<vmem>>, vector<1x16xf32>,
        %get3A_826 = vector.shape_cast %get3A_825 : vector<1x16xf32> to vector<16xf32>
        %add3A_827 = arith.addf %add3A_818, %get3A_826 : vector<16xf32>
        %mul3A_828 = arith.constant 10 : i32
        %mul3A_829 = arith.muli %scan3A_121, %mul3A_828 : i32
        %add3A_830 = arith.constant 5 : i32
        %add3A_831 = arith.addi %mul3A_829, %add3A_830 : i32
        %get3A_832 = arith.index_cast %add3A_831 : i32 to index
        %get3A_833 = arith.constant 112 : index
        %get3A_834 = tpu.vector_load %arg4[%get3A_832, %get3A_833] {strides = array<i32>} : memref<160x128xf32, #tpu.memory_space<vmem>>, vector<1x16xf32>,
        %get3A_835 = vector.shape_cast %get3A_834 : vector<1x16xf32> to vector<16xf32>
        %add3A_836 = arith.addf %add3A_827, %get3A_835 : vector<16xf32>
        %mul3A_837 = arith.constant 10 : i32
        %mul3A_838 = arith.muli %scan3A_121, %mul3A_837 : i32
        %add3A_839 = arith.constant 6 : i32
        %add3A_840 = arith.addi %mul3A_838, %add3A_839 : i32
        %get3A_841 = arith.index_cast %add3A_840 : i32 to index
        %get3A_842 = arith.constant 112 : index
        %get3A_843 = tpu.vector_load %arg4[%get3A_841, %get3A_842] {strides = array<i32>} : memref<160x128xf32, #tpu.memory_space<vmem>>, vector<1x16xf32>,
        %get3A_844 = vector.shape_cast %get3A_843 : vector<1x16xf32> to vector<16xf32>
        %add3A_845 = arith.addf %add3A_836, %get3A_844 : vector<16xf32>
        %mul3A_846 = arith.constant 10 : i32
        %mul3A_847 = arith.muli %scan3A_121, %mul3A_846 : i32
        %add3A_848 = arith.constant 7 : i32
        %add3A_849 = arith.addi %mul3A_847, %add3A_848 : i32
        %get3A_850 = arith.index_cast %add3A_849 : i32 to index
        %get3A_851 = arith.constant 112 : index
        %get3A_852 = tpu.vector_load %arg4[%get3A_850, %get3A_851] {strides = array<i32>} : memref<160x128xf32, #tpu.memory_space<vmem>>, vector<1x16xf32>,
        %get3A_853 = vector.shape_cast %get3A_852 : vector<1x16xf32> to vector<16xf32>
        %add3A_854 = arith.addf %add3A_845, %get3A_853 : vector<16xf32>
        %mul3A_855 = arith.constant 10 : i32
        %mul3A_856 = arith.muli %scan3A_121, %mul3A_855 : i32
        %add3A_857 = arith.constant 8 : i32
        %add3A_858 = arith.addi %mul3A_856, %add3A_857 : i32
        %get3A_859 = arith.index_cast %add3A_858 : i32 to index
        %get3A_860 = arith.constant 112 : index
        %get3A_861 = tpu.vector_load %arg4[%get3A_859, %get3A_860] {strides = array<i32>} : memref<160x128xf32, #tpu.memory_space<vmem>>, vector<1x16xf32>,
        %get3A_862 = vector.shape_cast %get3A_861 : vector<1x16xf32> to vector<16xf32>
        %add3A_863 = arith.addf %add3A_854, %get3A_862 : vector<16xf32>
        %mul3A_864 = arith.constant 10 : i32
        %mul3A_865 = arith.muli %scan3A_121, %mul3A_864 : i32
        %add3A_866 = arith.constant 9 : i32
        %add3A_867 = arith.addi %mul3A_865, %add3A_866 : i32
        %get3A_868 = arith.index_cast %add3A_867 : i32 to index
        %get3A_869 = arith.constant 112 : index
        %get3A_870 = tpu.vector_load %arg4[%get3A_868, %get3A_869] {strides = array<i32>} : memref<160x128xf32, #tpu.memory_space<vmem>>, vector<1x16xf32>,
        %get3A_871 = vector.shape_cast %get3A_870 : vector<1x16xf32> to vector<16xf32>
        %add3A_872 = arith.addf %add3A_863, %get3A_871 : vector<16xf32>
        %mul3A_873 = arith.constant 1.000000e-01 : f32
        %mul3A_874 = vector.broadcast %mul3A_873 : f32 to vector<16xf32>
        %mul3A_875 = arith.mulf %add3A_872, %mul3A_874 : vector<16xf32>
        %swap3A_876 = arith.index_cast %scan3A_121 : i32 to index
        %swap3A_877 = arith.constant 112 : index
        %swap3A_878 = tpu.vector_load %arg6[%swap3A_876, %swap3A_877] {strides = array<i32>} : memref<16x128xf32, #tpu.memory_space<vmem>>, vector<1x16xf32>,
        %swap3A_879 = vector.shape_cast %swap3A_878 : vector<1x16xf32> to vector<16xf32>
        %swap3A_880 = vector.shape_cast %mul3A_875 : vector<16xf32> to vector<1x16xf32>
        tpu.vector_store %arg6[%swap3A_876, %swap3A_877], %swap3A_880 {strides = array<i32>} : memref<16x128xf32, #tpu.memory_space<vmem>>, vector<1x16xf32>,
        %scan3A_881 = arith.constant 0 : i32
        scf.yield %scan3A_881 : i32
      }
      %scan3A_65 = arith.constant 16 : i32
      %mul3A_66 = arith.constant 16 : i32
      %mul3A_67 = arith.muli %add3A_45, %mul3A_66 : i32
      %add3A_68 = arith.addi %min3A_3, %mul3A_67 : i32
      %dma_start3A_69 = arith.constant 0 : i32
      %dma_start3A_70 = tpu.memref_slice %arg3[%add3A_68, %dma_start3A_69] : memref<50000x128xf32, #tpu.memory_space<hbm>> -> memref<16x128xf32, #tpu.memory_space<hbm>>
      %dma_start3A_71 = arith.constant 0 : i32
      %dma_start3A_72 = tpu.memref_slice %arg3[%add3A_68, %dma_start3A_71] : memref<50000x128xf32, #tpu.memory_space<hbm>> -> memref<16x128xf32, #tpu.memory_space<hbm>>
      tpu.enqueue_dma source(%arg6 : memref<16x128xf32, #tpu.memory_space<vmem>>) target(%dma_start3A_72 : memref<16x128xf32, #tpu.memory_space<hbm>>) target_semaphore(%arg10 : memref<!tpu.dma_semaphore, #tpu.memory_space<semaphore_mem>>)
      %add3A_73 = arith.constant 2 : i32
      %add3A_74 = arith.addi %add3A_45, %add3A_73 : i32
      %lt3A = arith.constant 98 : i32
      %lt3A_75 = arith.cmpi slt, %add3A_74, %lt3A : i32
      %convert_element_type3A_76 = arith.extui %lt3A_75 : i1 to i32
      %cond3A_77 = arith.constant 0 : i32
      %cond3A_78 = arith.cmpi ne, %convert_element_type3A_76, %cond3A_77 : i32
      scf.if %cond3A_78 {
        %add3A_121 = arith.constant 2 : i32
        %add3A_122 = arith.addi %add3A_45, %add3A_121 : i32
        %add3A_123 = arith.constant 0 : i32
        %add3A_124 = arith.addi %add3A_123, %min3A_3 : i32
        %mul3A_125 = arith.constant 16 : i32
        %mul3A_126 = arith.muli %add3A_122, %mul3A_125 : i32
        %add3A_127 = arith.addi %add3A_124, %mul3A_126 : i32
        %mul3A_128 = arith.constant 10 : i32
        %mul3A_129 = arith.muli %add3A_127, %mul3A_128 : i32
        %dma_start3A_130 = arith.constant 0 : i32
        %dma_start3A_131 = tpu.memref_slice %arg2[%mul3A_129, %dma_start3A_130] : memref<500000x128xf32, #tpu.memory_space<hbm>> -> memref<160x128xf32, #tpu.memory_space<hbm>>
        %dma_start3A_132 = arith.constant 0 : i32
        %dma_start3A_133 = tpu.memref_slice %arg2[%mul3A_129, %dma_start3A_132] : memref<500000x128xf32, #tpu.memory_space<hbm>> -> memref<160x128xf32, #tpu.memory_space<hbm>>
        tpu.enqueue_dma source(%dma_start3A_133 : memref<160x128xf32, #tpu.memory_space<hbm>>) target(%arg4 : memref<160x128xf32, #tpu.memory_space<vmem>>) target_semaphore(%arg8 : memref<!tpu.dma_semaphore, #tpu.memory_space<semaphore_mem>>)
      } else {
      }
      %mul3A_79 = arith.constant 2 : i32
      %mul3A_80 = arith.muli %scan3A_40, %mul3A_79 : i32
      %add3A_81 = arith.constant 1 : i32
      %add3A_82 = arith.addi %mul3A_80, %add3A_81 : i32
      %add3A_83 = arith.constant 0 : i32
      %add3A_84 = arith.addi %add3A_83, %min3A_3 : i32
      %mul3A_85 = arith.constant 16 : i32
      %mul3A_86 = arith.muli %add3A_82, %mul3A_85 : i32
      %add3A_87 = arith.addi %add3A_84, %mul3A_86 : i32
      %mul3A_88 = arith.constant 10 : i32
      %mul3A_89 = arith.muli %add3A_87, %mul3A_88 : i32
      %dma_wait3A_90 = arith.constant 0 : i32
      %dma_wait3A_91 = tpu.memref_slice %arg2[%mul3A_89, %dma_wait3A_90] : memref<500000x128xf32, #tpu.memory_space<hbm>> -> memref<160x128xf32, #tpu.memory_space<hbm>>
      %dma_wait3A_92 = arith.constant 0 : i32
      %dma_wait3A_93 = tpu.memref_slice %arg2[%mul3A_89, %dma_wait3A_92] : memref<500000x128xf32, #tpu.memory_space<hbm>> -> memref<160x128xf32, #tpu.memory_space<hbm>>
      tpu.wait_dma2 semaphore(%arg9 : memref<!tpu.dma_semaphore, #tpu.memory_space<semaphore_mem>>) src(%dma_wait3A_93 : memref<160x128xf32, #tpu.memory_space<hbm>>) dst(%arg5 : memref<160x128xf32, #tpu.memory_space<vmem>>)
      %ge3A_94 = arith.constant 1 : i32
      %ge3A_95 = arith.cmpi sge, %scan3A_40, %ge3A_94 : i32
      %convert_element_type3A_96 = arith.extui %ge3A_95 : i1 to i32
      %cond3A_97 = arith.constant 0 : i32
      %cond3A_98 = arith.cmpi ne, %convert_element_type3A_96, %cond3A_97 : i32
      scf.if %cond3A_98 {
        %sub3A = arith.constant 2 : i32
        %sub3A_121 = arith.subi %add3A_82, %sub3A : i32
        %mul3A_122 = arith.constant 16 : i32
        %mul3A_123 = arith.muli %sub3A_121, %mul3A_122 : i32
        %add3A_124 = arith.addi %min3A_3, %mul3A_123 : i32
        %dma_wait3A_125 = arith.constant 0 : i32
        %dma_wait3A_126 = tpu.memref_slice %arg3[%add3A_124, %dma_wait3A_125] : memref<50000x128xf32, #tpu.memory_space<hbm>> -> memref<16x128xf32, #tpu.memory_space<hbm>>
        %dma_wait3A_127 = arith.constant 0 : i32
        %dma_wait3A_128 = tpu.memref_slice %arg3[%add3A_124, %dma_wait3A_127] : memref<50000x128xf32, #tpu.memory_space<hbm>> -> memref<16x128xf32, #tpu.memory_space<hbm>>
        tpu.wait_dma2 semaphore(%arg11 : memref<!tpu.dma_semaphore, #tpu.memory_space<semaphore_mem>>) src(%arg7 : memref<16x128xf32, #tpu.memory_space<vmem>>) dst(%dma_wait3A_128 : memref<16x128xf32, #tpu.memory_space<hbm>>)
      } else {
      }
      %scan3A_99 = arith.constant 0 : i32
      %scan3A_100 = arith.constant 0 : i32
      %scan3A_101 = arith.constant 16 : i32
      %scan3A_102 = arith.addi %scan3A_100, %scan3A_101 : i32
      %scan3A_103 = arith.constant 1 : i32
      %scan3A_104 = scf.for %scan3A_121 = %scan3A_100 to %scan3A_102 step %scan3A_103 iter_args(%scan3A_122 = %scan3A_99) -> (i32)  : i32 {
        %mul3A_123 = arith.constant 10 : i32
        %mul3A_124 = arith.muli %scan3A_121, %mul3A_123 : i32
        %get3A = arith.index_cast %mul3A_124 : i32 to index
        %get3A_125 = arith.constant 0 : index
        %get3A_126 = tpu.vector_load %arg5[%get3A, %get3A_125] {strides = array<i32>} : memref<160x128xf32, #tpu.memory_space<vmem>>, vector<1x16xf32>,
        %get3A_127 = vector.shape_cast %get3A_126 : vector<1x16xf32> to vector<16xf32>
        %mul3A_128 = arith.constant 10 : i32
        %mul3A_129 = arith.muli %scan3A_121, %mul3A_128 : i32
        %add3A_130 = arith.constant 1 : i32
        %add3A_131 = arith.addi %mul3A_129, %add3A_130 : i32
        %get3A_132 = arith.index_cast %add3A_131 : i32 to index
        %get3A_133 = arith.constant 0 : index
        %get3A_134 = tpu.vector_load %arg5[%get3A_132, %get3A_133] {strides = array<i32>} : memref<160x128xf32, #tpu.memory_space<vmem>>, vector<1x16xf32>,
        %get3A_135 = vector.shape_cast %get3A_134 : vector<1x16xf32> to vector<16xf32>
        %add3A_136 = arith.addf %get3A_127, %get3A_135 : vector<16xf32>
        %mul3A_137 = arith.constant 10 : i32
        %mul3A_138 = arith.muli %scan3A_121, %mul3A_137 : i32
        %add3A_139 = arith.constant 2 : i32
        %add3A_140 = arith.addi %mul3A_138, %add3A_139 : i32
        %get3A_141 = arith.index_cast %add3A_140 : i32 to index
        %get3A_142 = arith.constant 0 : index
        %get3A_143 = tpu.vector_load %arg5[%get3A_141, %get3A_142] {strides = array<i32>} : memref<160x128xf32, #tpu.memory_space<vmem>>, vector<1x16xf32>,
        %get3A_144 = vector.shape_cast %get3A_143 : vector<1x16xf32> to vector<16xf32>
        %add3A_145 = arith.addf %add3A_136, %get3A_144 : vector<16xf32>
        %mul3A_146 = arith.constant 10 : i32
        %mul3A_147 = arith.muli %scan3A_121, %mul3A_146 : i32
        %add3A_148 = arith.constant 3 : i32
        %add3A_149 = arith.addi %mul3A_147, %add3A_148 : i32
        %get3A_150 = arith.index_cast %add3A_149 : i32 to index
        %get3A_151 = arith.constant 0 : index
        %get3A_152 = tpu.vector_load %arg5[%get3A_150, %get3A_151] {strides = array<i32>} : memref<160x128xf32, #tpu.memory_space<vmem>>, vector<1x16xf32>,
        %get3A_153 = vector.shape_cast %get3A_152 : vector<1x16xf32> to vector<16xf32>
        %add3A_154 = arith.addf %add3A_145, %get3A_153 : vector<16xf32>
        %mul3A_155 = arith.constant 10 : i32
        %mul3A_156 = arith.muli %scan3A_121, %mul3A_155 : i32
        %add3A_157 = arith.constant 4 : i32
        %add3A_158 = arith.addi %mul3A_156, %add3A_157 : i32
        %get3A_159 = arith.index_cast %add3A_158 : i32 to index
        %get3A_160 = arith.constant 0 : index
        %get3A_161 = tpu.vector_load %arg5[%get3A_159, %get3A_160] {strides = array<i32>} : memref<160x128xf32, #tpu.memory_space<vmem>>, vector<1x16xf32>,
        %get3A_162 = vector.shape_cast %get3A_161 : vector<1x16xf32> to vector<16xf32>
        %add3A_163 = arith.addf %add3A_154, %get3A_162 : vector<16xf32>
        %mul3A_164 = arith.constant 10 : i32
        %mul3A_165 = arith.muli %scan3A_121, %mul3A_164 : i32
        %add3A_166 = arith.constant 5 : i32
        %add3A_167 = arith.addi %mul3A_165, %add3A_166 : i32
        %get3A_168 = arith.index_cast %add3A_167 : i32 to index
        %get3A_169 = arith.constant 0 : index
        %get3A_170 = tpu.vector_load %arg5[%get3A_168, %get3A_169] {strides = array<i32>} : memref<160x128xf32, #tpu.memory_space<vmem>>, vector<1x16xf32>,
        %get3A_171 = vector.shape_cast %get3A_170 : vector<1x16xf32> to vector<16xf32>
        %add3A_172 = arith.addf %add3A_163, %get3A_171 : vector<16xf32>
        %mul3A_173 = arith.constant 10 : i32
        %mul3A_174 = arith.muli %scan3A_121, %mul3A_173 : i32
        %add3A_175 = arith.constant 6 : i32
        %add3A_176 = arith.addi %mul3A_174, %add3A_175 : i32
        %get3A_177 = arith.index_cast %add3A_176 : i32 to index
        %get3A_178 = arith.constant 0 : index
        %get3A_179 = tpu.vector_load %arg5[%get3A_177, %get3A_178] {strides = array<i32>} : memref<160x128xf32, #tpu.memory_space<vmem>>, vector<1x16xf32>,
        %get3A_180 = vector.shape_cast %get3A_179 : vector<1x16xf32> to vector<16xf32>
        %add3A_181 = arith.addf %add3A_172, %get3A_180 : vector<16xf32>
        %mul3A_182 = arith.constant 10 : i32
        %mul3A_183 = arith.muli %scan3A_121, %mul3A_182 : i32
        %add3A_184 = arith.constant 7 : i32
        %add3A_185 = arith.addi %mul3A_183, %add3A_184 : i32
        %get3A_186 = arith.index_cast %add3A_185 : i32 to index
        %get3A_187 = arith.constant 0 : index
        %get3A_188 = tpu.vector_load %arg5[%get3A_186, %get3A_187] {strides = array<i32>} : memref<160x128xf32, #tpu.memory_space<vmem>>, vector<1x16xf32>,
        %get3A_189 = vector.shape_cast %get3A_188 : vector<1x16xf32> to vector<16xf32>
        %add3A_190 = arith.addf %add3A_181, %get3A_189 : vector<16xf32>
        %mul3A_191 = arith.constant 10 : i32
        %mul3A_192 = arith.muli %scan3A_121, %mul3A_191 : i32
        %add3A_193 = arith.constant 8 : i32
        %add3A_194 = arith.addi %mul3A_192, %add3A_193 : i32
        %get3A_195 = arith.index_cast %add3A_194 : i32 to index
        %get3A_196 = arith.constant 0 : index
        %get3A_197 = tpu.vector_load %arg5[%get3A_195, %get3A_196] {strides = array<i32>} : memref<160x128xf32, #tpu.memory_space<vmem>>, vector<1x16xf32>,
        %get3A_198 = vector.shape_cast %get3A_197 : vector<1x16xf32> to vector<16xf32>
        %add3A_199 = arith.addf %add3A_190, %get3A_198 : vector<16xf32>
        %mul3A_200 = arith.constant 10 : i32
        %mul3A_201 = arith.muli %scan3A_121, %mul3A_200 : i32
        %add3A_202 = arith.constant 9 : i32
        %add3A_203 = arith.addi %mul3A_201, %add3A_202 : i32
        %get3A_204 = arith.index_cast %add3A_203 : i32 to index
        %get3A_205 = arith.constant 0 : index
        %get3A_206 = tpu.vector_load %arg5[%get3A_204, %get3A_205] {strides = array<i32>} : memref<160x128xf32, #tpu.memory_space<vmem>>, vector<1x16xf32>,
        %get3A_207 = vector.shape_cast %get3A_206 : vector<1x16xf32> to vector<16xf32>
        %add3A_208 = arith.addf %add3A_199, %get3A_207 : vector<16xf32>
        %mul3A_209 = arith.constant 1.000000e-01 : f32
        %mul3A_210 = vector.broadcast %mul3A_209 : f32 to vector<16xf32>
        %mul3A_211 = arith.mulf %add3A_208, %mul3A_210 : vector<16xf32>
        %swap3A = arith.index_cast %scan3A_121 : i32 to index
        %swap3A_212 = arith.constant 0 : index
        %swap3A_213 = tpu.vector_load %arg7[%swap3A, %swap3A_212] {strides = array<i32>} : memref<16x128xf32, #tpu.memory_space<vmem>>, vector<1x16xf32>,
        %swap3A_214 = vector.shape_cast %swap3A_213 : vector<1x16xf32> to vector<16xf32>
        %swap3A_215 = vector.shape_cast %mul3A_211 : vector<16xf32> to vector<1x16xf32>
        tpu.vector_store %arg7[%swap3A, %swap3A_212], %swap3A_215 {strides = array<i32>} : memref<16x128xf32, #tpu.memory_space<vmem>>, vector<1x16xf32>,
        %mul3A_216 = arith.constant 10 : i32
        %mul3A_217 = arith.muli %scan3A_121, %mul3A_216 : i32
        %get3A_218 = arith.index_cast %mul3A_217 : i32 to index
        %get3A_219 = arith.constant 16 : index
        %get3A_220 = tpu.vector_load %arg5[%get3A_218, %get3A_219] {strides = array<i32>} : memref<160x128xf32, #tpu.memory_space<vmem>>, vector<1x16xf32>,
        %get3A_221 = vector.shape_cast %get3A_220 : vector<1x16xf32> to vector<16xf32>
        %mul3A_222 = arith.constant 10 : i32
        %mul3A_223 = arith.muli %scan3A_121, %mul3A_222 : i32
        %add3A_224 = arith.constant 1 : i32
        %add3A_225 = arith.addi %mul3A_223, %add3A_224 : i32
        %get3A_226 = arith.index_cast %add3A_225 : i32 to index
        %get3A_227 = arith.constant 16 : index
        %get3A_228 = tpu.vector_load %arg5[%get3A_226, %get3A_227] {strides = array<i32>} : memref<160x128xf32, #tpu.memory_space<vmem>>, vector<1x16xf32>,
        %get3A_229 = vector.shape_cast %get3A_228 : vector<1x16xf32> to vector<16xf32>
        %add3A_230 = arith.addf %get3A_221, %get3A_229 : vector<16xf32>
        %mul3A_231 = arith.constant 10 : i32
        %mul3A_232 = arith.muli %scan3A_121, %mul3A_231 : i32
        %add3A_233 = arith.constant 2 : i32
        %add3A_234 = arith.addi %mul3A_232, %add3A_233 : i32
        %get3A_235 = arith.index_cast %add3A_234 : i32 to index
        %get3A_236 = arith.constant 16 : index
        %get3A_237 = tpu.vector_load %arg5[%get3A_235, %get3A_236] {strides = array<i32>} : memref<160x128xf32, #tpu.memory_space<vmem>>, vector<1x16xf32>,
        %get3A_238 = vector.shape_cast %get3A_237 : vector<1x16xf32> to vector<16xf32>
        %add3A_239 = arith.addf %add3A_230, %get3A_238 : vector<16xf32>
        %mul3A_240 = arith.constant 10 : i32
        %mul3A_241 = arith.muli %scan3A_121, %mul3A_240 : i32
        %add3A_242 = arith.constant 3 : i32
        %add3A_243 = arith.addi %mul3A_241, %add3A_242 : i32
        %get3A_244 = arith.index_cast %add3A_243 : i32 to index
        %get3A_245 = arith.constant 16 : index
        %get3A_246 = tpu.vector_load %arg5[%get3A_244, %get3A_245] {strides = array<i32>} : memref<160x128xf32, #tpu.memory_space<vmem>>, vector<1x16xf32>,
        %get3A_247 = vector.shape_cast %get3A_246 : vector<1x16xf32> to vector<16xf32>
        %add3A_248 = arith.addf %add3A_239, %get3A_247 : vector<16xf32>
        %mul3A_249 = arith.constant 10 : i32
        %mul3A_250 = arith.muli %scan3A_121, %mul3A_249 : i32
        %add3A_251 = arith.constant 4 : i32
        %add3A_252 = arith.addi %mul3A_250, %add3A_251 : i32
        %get3A_253 = arith.index_cast %add3A_252 : i32 to index
        %get3A_254 = arith.constant 16 : index
        %get3A_255 = tpu.vector_load %arg5[%get3A_253, %get3A_254] {strides = array<i32>} : memref<160x128xf32, #tpu.memory_space<vmem>>, vector<1x16xf32>,
        %get3A_256 = vector.shape_cast %get3A_255 : vector<1x16xf32> to vector<16xf32>
        %add3A_257 = arith.addf %add3A_248, %get3A_256 : vector<16xf32>
        %mul3A_258 = arith.constant 10 : i32
        %mul3A_259 = arith.muli %scan3A_121, %mul3A_258 : i32
        %add3A_260 = arith.constant 5 : i32
        %add3A_261 = arith.addi %mul3A_259, %add3A_260 : i32
        %get3A_262 = arith.index_cast %add3A_261 : i32 to index
        %get3A_263 = arith.constant 16 : index
        %get3A_264 = tpu.vector_load %arg5[%get3A_262, %get3A_263] {strides = array<i32>} : memref<160x128xf32, #tpu.memory_space<vmem>>, vector<1x16xf32>,
        %get3A_265 = vector.shape_cast %get3A_264 : vector<1x16xf32> to vector<16xf32>
        %add3A_266 = arith.addf %add3A_257, %get3A_265 : vector<16xf32>
        %mul3A_267 = arith.constant 10 : i32
        %mul3A_268 = arith.muli %scan3A_121, %mul3A_267 : i32
        %add3A_269 = arith.constant 6 : i32
        %add3A_270 = arith.addi %mul3A_268, %add3A_269 : i32
        %get3A_271 = arith.index_cast %add3A_270 : i32 to index
        %get3A_272 = arith.constant 16 : index
        %get3A_273 = tpu.vector_load %arg5[%get3A_271, %get3A_272] {strides = array<i32>} : memref<160x128xf32, #tpu.memory_space<vmem>>, vector<1x16xf32>,
        %get3A_274 = vector.shape_cast %get3A_273 : vector<1x16xf32> to vector<16xf32>
        %add3A_275 = arith.addf %add3A_266, %get3A_274 : vector<16xf32>
        %mul3A_276 = arith.constant 10 : i32
        %mul3A_277 = arith.muli %scan3A_121, %mul3A_276 : i32
        %add3A_278 = arith.constant 7 : i32
        %add3A_279 = arith.addi %mul3A_277, %add3A_278 : i32
        %get3A_280 = arith.index_cast %add3A_279 : i32 to index
        %get3A_281 = arith.constant 16 : index
        %get3A_282 = tpu.vector_load %arg5[%get3A_280, %get3A_281] {strides = array<i32>} : memref<160x128xf32, #tpu.memory_space<vmem>>, vector<1x16xf32>,
        %get3A_283 = vector.shape_cast %get3A_282 : vector<1x16xf32> to vector<16xf32>
        %add3A_284 = arith.addf %add3A_275, %get3A_283 : vector<16xf32>
        %mul3A_285 = arith.constant 10 : i32
        %mul3A_286 = arith.muli %scan3A_121, %mul3A_285 : i32
        %add3A_287 = arith.constant 8 : i32
        %add3A_288 = arith.addi %mul3A_286, %add3A_287 : i32
        %get3A_289 = arith.index_cast %add3A_288 : i32 to index
        %get3A_290 = arith.constant 16 : index
        %get3A_291 = tpu.vector_load %arg5[%get3A_289, %get3A_290] {strides = array<i32>} : memref<160x128xf32, #tpu.memory_space<vmem>>, vector<1x16xf32>,
        %get3A_292 = vector.shape_cast %get3A_291 : vector<1x16xf32> to vector<16xf32>
        %add3A_293 = arith.addf %add3A_284, %get3A_292 : vector<16xf32>
        %mul3A_294 = arith.constant 10 : i32
        %mul3A_295 = arith.muli %scan3A_121, %mul3A_294 : i32
        %add3A_296 = arith.constant 9 : i32
        %add3A_297 = arith.addi %mul3A_295, %add3A_296 : i32
        %get3A_298 = arith.index_cast %add3A_297 : i32 to index
        %get3A_299 = arith.constant 16 : index
        %get3A_300 = tpu.vector_load %arg5[%get3A_298, %get3A_299] {strides = array<i32>} : memref<160x128xf32, #tpu.memory_space<vmem>>, vector<1x16xf32>,
        %get3A_301 = vector.shape_cast %get3A_300 : vector<1x16xf32> to vector<16xf32>
        %add3A_302 = arith.addf %add3A_293, %get3A_301 : vector<16xf32>
        %mul3A_303 = arith.constant 1.000000e-01 : f32
        %mul3A_304 = vector.broadcast %mul3A_303 : f32 to vector<16xf32>
        %mul3A_305 = arith.mulf %add3A_302, %mul3A_304 : vector<16xf32>
        %swap3A_306 = arith.index_cast %scan3A_121 : i32 to index
        %swap3A_307 = arith.constant 16 : index
        %swap3A_308 = tpu.vector_load %arg7[%swap3A_306, %swap3A_307] {strides = array<i32>} : memref<16x128xf32, #tpu.memory_space<vmem>>, vector<1x16xf32>,
        %swap3A_309 = vector.shape_cast %swap3A_308 : vector<1x16xf32> to vector<16xf32>
        %swap3A_310 = vector.shape_cast %mul3A_305 : vector<16xf32> to vector<1x16xf32>
        tpu.vector_store %arg7[%swap3A_306, %swap3A_307], %swap3A_310 {strides = array<i32>} : memref<16x128xf32, #tpu.memory_space<vmem>>, vector<1x16xf32>,
        %mul3A_311 = arith.constant 10 : i32
        %mul3A_312 = arith.muli %scan3A_121, %mul3A_311 : i32
        %get3A_313 = arith.index_cast %mul3A_312 : i32 to index
        %get3A_314 = arith.constant 32 : index
        %get3A_315 = tpu.vector_load %arg5[%get3A_313, %get3A_314] {strides = array<i32>} : memref<160x128xf32, #tpu.memory_space<vmem>>, vector<1x16xf32>,
        %get3A_316 = vector.shape_cast %get3A_315 : vector<1x16xf32> to vector<16xf32>
        %mul3A_317 = arith.constant 10 : i32
        %mul3A_318 = arith.muli %scan3A_121, %mul3A_317 : i32
        %add3A_319 = arith.constant 1 : i32
        %add3A_320 = arith.addi %mul3A_318, %add3A_319 : i32
        %get3A_321 = arith.index_cast %add3A_320 : i32 to index
        %get3A_322 = arith.constant 32 : index
        %get3A_323 = tpu.vector_load %arg5[%get3A_321, %get3A_322] {strides = array<i32>} : memref<160x128xf32, #tpu.memory_space<vmem>>, vector<1x16xf32>,
        %get3A_324 = vector.shape_cast %get3A_323 : vector<1x16xf32> to vector<16xf32>
        %add3A_325 = arith.addf %get3A_316, %get3A_324 : vector<16xf32>
        %mul3A_326 = arith.constant 10 : i32
        %mul3A_327 = arith.muli %scan3A_121, %mul3A_326 : i32
        %add3A_328 = arith.constant 2 : i32
        %add3A_329 = arith.addi %mul3A_327, %add3A_328 : i32
        %get3A_330 = arith.index_cast %add3A_329 : i32 to index
        %get3A_331 = arith.constant 32 : index
        %get3A_332 = tpu.vector_load %arg5[%get3A_330, %get3A_331] {strides = array<i32>} : memref<160x128xf32, #tpu.memory_space<vmem>>, vector<1x16xf32>,
        %get3A_333 = vector.shape_cast %get3A_332 : vector<1x16xf32> to vector<16xf32>
        %add3A_334 = arith.addf %add3A_325, %get3A_333 : vector<16xf32>
        %mul3A_335 = arith.constant 10 : i32
        %mul3A_336 = arith.muli %scan3A_121, %mul3A_335 : i32
        %add3A_337 = arith.constant 3 : i32
        %add3A_338 = arith.addi %mul3A_336, %add3A_337 : i32
        %get3A_339 = arith.index_cast %add3A_338 : i32 to index
        %get3A_340 = arith.constant 32 : index
        %get3A_341 = tpu.vector_load %arg5[%get3A_339, %get3A_340] {strides = array<i32>} : memref<160x128xf32, #tpu.memory_space<vmem>>, vector<1x16xf32>,
        %get3A_342 = vector.shape_cast %get3A_341 : vector<1x16xf32> to vector<16xf32>
        %add3A_343 = arith.addf %add3A_334, %get3A_342 : vector<16xf32>
        %mul3A_344 = arith.constant 10 : i32
        %mul3A_345 = arith.muli %scan3A_121, %mul3A_344 : i32
        %add3A_346 = arith.constant 4 : i32
        %add3A_347 = arith.addi %mul3A_345, %add3A_346 : i32
        %get3A_348 = arith.index_cast %add3A_347 : i32 to index
        %get3A_349 = arith.constant 32 : index
        %get3A_350 = tpu.vector_load %arg5[%get3A_348, %get3A_349] {strides = array<i32>} : memref<160x128xf32, #tpu.memory_space<vmem>>, vector<1x16xf32>,
        %get3A_351 = vector.shape_cast %get3A_350 : vector<1x16xf32> to vector<16xf32>
        %add3A_352 = arith.addf %add3A_343, %get3A_351 : vector<16xf32>
        %mul3A_353 = arith.constant 10 : i32
        %mul3A_354 = arith.muli %scan3A_121, %mul3A_353 : i32
        %add3A_355 = arith.constant 5 : i32
        %add3A_356 = arith.addi %mul3A_354, %add3A_355 : i32
        %get3A_357 = arith.index_cast %add3A_356 : i32 to index
        %get3A_358 = arith.constant 32 : index
        %get3A_359 = tpu.vector_load %arg5[%get3A_357, %get3A_358] {strides = array<i32>} : memref<160x128xf32, #tpu.memory_space<vmem>>, vector<1x16xf32>,
        %get3A_360 = vector.shape_cast %get3A_359 : vector<1x16xf32> to vector<16xf32>
        %add3A_361 = arith.addf %add3A_352, %get3A_360 : vector<16xf32>
        %mul3A_362 = arith.constant 10 : i32
        %mul3A_363 = arith.muli %scan3A_121, %mul3A_362 : i32
        %add3A_364 = arith.constant 6 : i32
        %add3A_365 = arith.addi %mul3A_363, %add3A_364 : i32
        %get3A_366 = arith.index_cast %add3A_365 : i32 to index
        %get3A_367 = arith.constant 32 : index
        %get3A_368 = tpu.vector_load %arg5[%get3A_366, %get3A_367] {strides = array<i32>} : memref<160x128xf32, #tpu.memory_space<vmem>>, vector<1x16xf32>,
        %get3A_369 = vector.shape_cast %get3A_368 : vector<1x16xf32> to vector<16xf32>
        %add3A_370 = arith.addf %add3A_361, %get3A_369 : vector<16xf32>
        %mul3A_371 = arith.constant 10 : i32
        %mul3A_372 = arith.muli %scan3A_121, %mul3A_371 : i32
        %add3A_373 = arith.constant 7 : i32
        %add3A_374 = arith.addi %mul3A_372, %add3A_373 : i32
        %get3A_375 = arith.index_cast %add3A_374 : i32 to index
        %get3A_376 = arith.constant 32 : index
        %get3A_377 = tpu.vector_load %arg5[%get3A_375, %get3A_376] {strides = array<i32>} : memref<160x128xf32, #tpu.memory_space<vmem>>, vector<1x16xf32>,
        %get3A_378 = vector.shape_cast %get3A_377 : vector<1x16xf32> to vector<16xf32>
        %add3A_379 = arith.addf %add3A_370, %get3A_378 : vector<16xf32>
        %mul3A_380 = arith.constant 10 : i32
        %mul3A_381 = arith.muli %scan3A_121, %mul3A_380 : i32
        %add3A_382 = arith.constant 8 : i32
        %add3A_383 = arith.addi %mul3A_381, %add3A_382 : i32
        %get3A_384 = arith.index_cast %add3A_383 : i32 to index
        %get3A_385 = arith.constant 32 : index
        %get3A_386 = tpu.vector_load %arg5[%get3A_384, %get3A_385] {strides = array<i32>} : memref<160x128xf32, #tpu.memory_space<vmem>>, vector<1x16xf32>,
        %get3A_387 = vector.shape_cast %get3A_386 : vector<1x16xf32> to vector<16xf32>
        %add3A_388 = arith.addf %add3A_379, %get3A_387 : vector<16xf32>
        %mul3A_389 = arith.constant 10 : i32
        %mul3A_390 = arith.muli %scan3A_121, %mul3A_389 : i32
        %add3A_391 = arith.constant 9 : i32
        %add3A_392 = arith.addi %mul3A_390, %add3A_391 : i32
        %get3A_393 = arith.index_cast %add3A_392 : i32 to index
        %get3A_394 = arith.constant 32 : index
        %get3A_395 = tpu.vector_load %arg5[%get3A_393, %get3A_394] {strides = array<i32>} : memref<160x128xf32, #tpu.memory_space<vmem>>, vector<1x16xf32>,
        %get3A_396 = vector.shape_cast %get3A_395 : vector<1x16xf32> to vector<16xf32>
        %add3A_397 = arith.addf %add3A_388, %get3A_396 : vector<16xf32>
        %mul3A_398 = arith.constant 1.000000e-01 : f32
        %mul3A_399 = vector.broadcast %mul3A_398 : f32 to vector<16xf32>
        %mul3A_400 = arith.mulf %add3A_397, %mul3A_399 : vector<16xf32>
        %swap3A_401 = arith.index_cast %scan3A_121 : i32 to index
        %swap3A_402 = arith.constant 32 : index
        %swap3A_403 = tpu.vector_load %arg7[%swap3A_401, %swap3A_402] {strides = array<i32>} : memref<16x128xf32, #tpu.memory_space<vmem>>, vector<1x16xf32>,
        %swap3A_404 = vector.shape_cast %swap3A_403 : vector<1x16xf32> to vector<16xf32>
        %swap3A_405 = vector.shape_cast %mul3A_400 : vector<16xf32> to vector<1x16xf32>
        tpu.vector_store %arg7[%swap3A_401, %swap3A_402], %swap3A_405 {strides = array<i32>} : memref<16x128xf32, #tpu.memory_space<vmem>>, vector<1x16xf32>,
        %mul3A_406 = arith.constant 10 : i32
        %mul3A_407 = arith.muli %scan3A_121, %mul3A_406 : i32
        %get3A_408 = arith.index_cast %mul3A_407 : i32 to index
        %get3A_409 = arith.constant 48 : index
        %get3A_410 = tpu.vector_load %arg5[%get3A_408, %get3A_409] {strides = array<i32>} : memref<160x128xf32, #tpu.memory_space<vmem>>, vector<1x16xf32>,
        %get3A_411 = vector.shape_cast %get3A_410 : vector<1x16xf32> to vector<16xf32>
        %mul3A_412 = arith.constant 10 : i32
        %mul3A_413 = arith.muli %scan3A_121, %mul3A_412 : i32
        %add3A_414 = arith.constant 1 : i32
        %add3A_415 = arith.addi %mul3A_413, %add3A_414 : i32
        %get3A_416 = arith.index_cast %add3A_415 : i32 to index
        %get3A_417 = arith.constant 48 : index
        %get3A_418 = tpu.vector_load %arg5[%get3A_416, %get3A_417] {strides = array<i32>} : memref<160x128xf32, #tpu.memory_space<vmem>>, vector<1x16xf32>,
        %get3A_419 = vector.shape_cast %get3A_418 : vector<1x16xf32> to vector<16xf32>
        %add3A_420 = arith.addf %get3A_411, %get3A_419 : vector<16xf32>
        %mul3A_421 = arith.constant 10 : i32
        %mul3A_422 = arith.muli %scan3A_121, %mul3A_421 : i32
        %add3A_423 = arith.constant 2 : i32
        %add3A_424 = arith.addi %mul3A_422, %add3A_423 : i32
        %get3A_425 = arith.index_cast %add3A_424 : i32 to index
        %get3A_426 = arith.constant 48 : index
        %get3A_427 = tpu.vector_load %arg5[%get3A_425, %get3A_426] {strides = array<i32>} : memref<160x128xf32, #tpu.memory_space<vmem>>, vector<1x16xf32>,
        %get3A_428 = vector.shape_cast %get3A_427 : vector<1x16xf32> to vector<16xf32>
        %add3A_429 = arith.addf %add3A_420, %get3A_428 : vector<16xf32>
        %mul3A_430 = arith.constant 10 : i32
        %mul3A_431 = arith.muli %scan3A_121, %mul3A_430 : i32
        %add3A_432 = arith.constant 3 : i32
        %add3A_433 = arith.addi %mul3A_431, %add3A_432 : i32
        %get3A_434 = arith.index_cast %add3A_433 : i32 to index
        %get3A_435 = arith.constant 48 : index
        %get3A_436 = tpu.vector_load %arg5[%get3A_434, %get3A_435] {strides = array<i32>} : memref<160x128xf32, #tpu.memory_space<vmem>>, vector<1x16xf32>,
        %get3A_437 = vector.shape_cast %get3A_436 : vector<1x16xf32> to vector<16xf32>
        %add3A_438 = arith.addf %add3A_429, %get3A_437 : vector<16xf32>
        %mul3A_439 = arith.constant 10 : i32
        %mul3A_440 = arith.muli %scan3A_121, %mul3A_439 : i32
        %add3A_441 = arith.constant 4 : i32
        %add3A_442 = arith.addi %mul3A_440, %add3A_441 : i32
        %get3A_443 = arith.index_cast %add3A_442 : i32 to index
        %get3A_444 = arith.constant 48 : index
        %get3A_445 = tpu.vector_load %arg5[%get3A_443, %get3A_444] {strides = array<i32>} : memref<160x128xf32, #tpu.memory_space<vmem>>, vector<1x16xf32>,
        %get3A_446 = vector.shape_cast %get3A_445 : vector<1x16xf32> to vector<16xf32>
        %add3A_447 = arith.addf %add3A_438, %get3A_446 : vector<16xf32>
        %mul3A_448 = arith.constant 10 : i32
        %mul3A_449 = arith.muli %scan3A_121, %mul3A_448 : i32
        %add3A_450 = arith.constant 5 : i32
        %add3A_451 = arith.addi %mul3A_449, %add3A_450 : i32
        %get3A_452 = arith.index_cast %add3A_451 : i32 to index
        %get3A_453 = arith.constant 48 : index
        %get3A_454 = tpu.vector_load %arg5[%get3A_452, %get3A_453] {strides = array<i32>} : memref<160x128xf32, #tpu.memory_space<vmem>>, vector<1x16xf32>,
        %get3A_455 = vector.shape_cast %get3A_454 : vector<1x16xf32> to vector<16xf32>
        %add3A_456 = arith.addf %add3A_447, %get3A_455 : vector<16xf32>
        %mul3A_457 = arith.constant 10 : i32
        %mul3A_458 = arith.muli %scan3A_121, %mul3A_457 : i32
        %add3A_459 = arith.constant 6 : i32
        %add3A_460 = arith.addi %mul3A_458, %add3A_459 : i32
        %get3A_461 = arith.index_cast %add3A_460 : i32 to index
        %get3A_462 = arith.constant 48 : index
        %get3A_463 = tpu.vector_load %arg5[%get3A_461, %get3A_462] {strides = array<i32>} : memref<160x128xf32, #tpu.memory_space<vmem>>, vector<1x16xf32>,
        %get3A_464 = vector.shape_cast %get3A_463 : vector<1x16xf32> to vector<16xf32>
        %add3A_465 = arith.addf %add3A_456, %get3A_464 : vector<16xf32>
        %mul3A_466 = arith.constant 10 : i32
        %mul3A_467 = arith.muli %scan3A_121, %mul3A_466 : i32
        %add3A_468 = arith.constant 7 : i32
        %add3A_469 = arith.addi %mul3A_467, %add3A_468 : i32
        %get3A_470 = arith.index_cast %add3A_469 : i32 to index
        %get3A_471 = arith.constant 48 : index
        %get3A_472 = tpu.vector_load %arg5[%get3A_470, %get3A_471] {strides = array<i32>} : memref<160x128xf32, #tpu.memory_space<vmem>>, vector<1x16xf32>,
        %get3A_473 = vector.shape_cast %get3A_472 : vector<1x16xf32> to vector<16xf32>
        %add3A_474 = arith.addf %add3A_465, %get3A_473 : vector<16xf32>
        %mul3A_475 = arith.constant 10 : i32
        %mul3A_476 = arith.muli %scan3A_121, %mul3A_475 : i32
        %add3A_477 = arith.constant 8 : i32
        %add3A_478 = arith.addi %mul3A_476, %add3A_477 : i32
        %get3A_479 = arith.index_cast %add3A_478 : i32 to index
        %get3A_480 = arith.constant 48 : index
        %get3A_481 = tpu.vector_load %arg5[%get3A_479, %get3A_480] {strides = array<i32>} : memref<160x128xf32, #tpu.memory_space<vmem>>, vector<1x16xf32>,
        %get3A_482 = vector.shape_cast %get3A_481 : vector<1x16xf32> to vector<16xf32>
        %add3A_483 = arith.addf %add3A_474, %get3A_482 : vector<16xf32>
        %mul3A_484 = arith.constant 10 : i32
        %mul3A_485 = arith.muli %scan3A_121, %mul3A_484 : i32
        %add3A_486 = arith.constant 9 : i32
        %add3A_487 = arith.addi %mul3A_485, %add3A_486 : i32
        %get3A_488 = arith.index_cast %add3A_487 : i32 to index
        %get3A_489 = arith.constant 48 : index
        %get3A_490 = tpu.vector_load %arg5[%get3A_488, %get3A_489] {strides = array<i32>} : memref<160x128xf32, #tpu.memory_space<vmem>>, vector<1x16xf32>,
        %get3A_491 = vector.shape_cast %get3A_490 : vector<1x16xf32> to vector<16xf32>
        %add3A_492 = arith.addf %add3A_483, %get3A_491 : vector<16xf32>
        %mul3A_493 = arith.constant 1.000000e-01 : f32
        %mul3A_494 = vector.broadcast %mul3A_493 : f32 to vector<16xf32>
        %mul3A_495 = arith.mulf %add3A_492, %mul3A_494 : vector<16xf32>
        %swap3A_496 = arith.index_cast %scan3A_121 : i32 to index
        %swap3A_497 = arith.constant 48 : index
        %swap3A_498 = tpu.vector_load %arg7[%swap3A_496, %swap3A_497] {strides = array<i32>} : memref<16x128xf32, #tpu.memory_space<vmem>>, vector<1x16xf32>,
        %swap3A_499 = vector.shape_cast %swap3A_498 : vector<1x16xf32> to vector<16xf32>
        %swap3A_500 = vector.shape_cast %mul3A_495 : vector<16xf32> to vector<1x16xf32>
        tpu.vector_store %arg7[%swap3A_496, %swap3A_497], %swap3A_500 {strides = array<i32>} : memref<16x128xf32, #tpu.memory_space<vmem>>, vector<1x16xf32>,
        %mul3A_501 = arith.constant 10 : i32
        %mul3A_502 = arith.muli %scan3A_121, %mul3A_501 : i32
        %get3A_503 = arith.index_cast %mul3A_502 : i32 to index
        %get3A_504 = arith.constant 64 : index
        %get3A_505 = tpu.vector_load %arg5[%get3A_503, %get3A_504] {strides = array<i32>} : memref<160x128xf32, #tpu.memory_space<vmem>>, vector<1x16xf32>,
        %get3A_506 = vector.shape_cast %get3A_505 : vector<1x16xf32> to vector<16xf32>
        %mul3A_507 = arith.constant 10 : i32
        %mul3A_508 = arith.muli %scan3A_121, %mul3A_507 : i32
        %add3A_509 = arith.constant 1 : i32
        %add3A_510 = arith.addi %mul3A_508, %add3A_509 : i32
        %get3A_511 = arith.index_cast %add3A_510 : i32 to index
        %get3A_512 = arith.constant 64 : index
        %get3A_513 = tpu.vector_load %arg5[%get3A_511, %get3A_512] {strides = array<i32>} : memref<160x128xf32, #tpu.memory_space<vmem>>, vector<1x16xf32>,
        %get3A_514 = vector.shape_cast %get3A_513 : vector<1x16xf32> to vector<16xf32>
        %add3A_515 = arith.addf %get3A_506, %get3A_514 : vector<16xf32>
        %mul3A_516 = arith.constant 10 : i32
        %mul3A_517 = arith.muli %scan3A_121, %mul3A_516 : i32
        %add3A_518 = arith.constant 2 : i32
        %add3A_519 = arith.addi %mul3A_517, %add3A_518 : i32
        %get3A_520 = arith.index_cast %add3A_519 : i32 to index
        %get3A_521 = arith.constant 64 : index
        %get3A_522 = tpu.vector_load %arg5[%get3A_520, %get3A_521] {strides = array<i32>} : memref<160x128xf32, #tpu.memory_space<vmem>>, vector<1x16xf32>,
        %get3A_523 = vector.shape_cast %get3A_522 : vector<1x16xf32> to vector<16xf32>
        %add3A_524 = arith.addf %add3A_515, %get3A_523 : vector<16xf32>
        %mul3A_525 = arith.constant 10 : i32
        %mul3A_526 = arith.muli %scan3A_121, %mul3A_525 : i32
        %add3A_527 = arith.constant 3 : i32
        %add3A_528 = arith.addi %mul3A_526, %add3A_527 : i32
        %get3A_529 = arith.index_cast %add3A_528 : i32 to index
        %get3A_530 = arith.constant 64 : index
        %get3A_531 = tpu.vector_load %arg5[%get3A_529, %get3A_530] {strides = array<i32>} : memref<160x128xf32, #tpu.memory_space<vmem>>, vector<1x16xf32>,
        %get3A_532 = vector.shape_cast %get3A_531 : vector<1x16xf32> to vector<16xf32>
        %add3A_533 = arith.addf %add3A_524, %get3A_532 : vector<16xf32>
        %mul3A_534 = arith.constant 10 : i32
        %mul3A_535 = arith.muli %scan3A_121, %mul3A_534 : i32
        %add3A_536 = arith.constant 4 : i32
        %add3A_537 = arith.addi %mul3A_535, %add3A_536 : i32
        %get3A_538 = arith.index_cast %add3A_537 : i32 to index
        %get3A_539 = arith.constant 64 : index
        %get3A_540 = tpu.vector_load %arg5[%get3A_538, %get3A_539] {strides = array<i32>} : memref<160x128xf32, #tpu.memory_space<vmem>>, vector<1x16xf32>,
        %get3A_541 = vector.shape_cast %get3A_540 : vector<1x16xf32> to vector<16xf32>
        %add3A_542 = arith.addf %add3A_533, %get3A_541 : vector<16xf32>
        %mul3A_543 = arith.constant 10 : i32
        %mul3A_544 = arith.muli %scan3A_121, %mul3A_543 : i32
        %add3A_545 = arith.constant 5 : i32
        %add3A_546 = arith.addi %mul3A_544, %add3A_545 : i32
        %get3A_547 = arith.index_cast %add3A_546 : i32 to index
        %get3A_548 = arith.constant 64 : index
        %get3A_549 = tpu.vector_load %arg5[%get3A_547, %get3A_548] {strides = array<i32>} : memref<160x128xf32, #tpu.memory_space<vmem>>, vector<1x16xf32>,
        %get3A_550 = vector.shape_cast %get3A_549 : vector<1x16xf32> to vector<16xf32>
        %add3A_551 = arith.addf %add3A_542, %get3A_550 : vector<16xf32>
        %mul3A_552 = arith.constant 10 : i32
        %mul3A_553 = arith.muli %scan3A_121, %mul3A_552 : i32
        %add3A_554 = arith.constant 6 : i32
        %add3A_555 = arith.addi %mul3A_553, %add3A_554 : i32
        %get3A_556 = arith.index_cast %add3A_555 : i32 to index
        %get3A_557 = arith.constant 64 : index
        %get3A_558 = tpu.vector_load %arg5[%get3A_556, %get3A_557] {strides = array<i32>} : memref<160x128xf32, #tpu.memory_space<vmem>>, vector<1x16xf32>,
        %get3A_559 = vector.shape_cast %get3A_558 : vector<1x16xf32> to vector<16xf32>
        %add3A_560 = arith.addf %add3A_551, %get3A_559 : vector<16xf32>
        %mul3A_561 = arith.constant 10 : i32
        %mul3A_562 = arith.muli %scan3A_121, %mul3A_561 : i32
        %add3A_563 = arith.constant 7 : i32
        %add3A_564 = arith.addi %mul3A_562, %add3A_563 : i32
        %get3A_565 = arith.index_cast %add3A_564 : i32 to index
        %get3A_566 = arith.constant 64 : index
        %get3A_567 = tpu.vector_load %arg5[%get3A_565, %get3A_566] {strides = array<i32>} : memref<160x128xf32, #tpu.memory_space<vmem>>, vector<1x16xf32>,
        %get3A_568 = vector.shape_cast %get3A_567 : vector<1x16xf32> to vector<16xf32>
        %add3A_569 = arith.addf %add3A_560, %get3A_568 : vector<16xf32>
        %mul3A_570 = arith.constant 10 : i32
        %mul3A_571 = arith.muli %scan3A_121, %mul3A_570 : i32
        %add3A_572 = arith.constant 8 : i32
        %add3A_573 = arith.addi %mul3A_571, %add3A_572 : i32
        %get3A_574 = arith.index_cast %add3A_573 : i32 to index
        %get3A_575 = arith.constant 64 : index
        %get3A_576 = tpu.vector_load %arg5[%get3A_574, %get3A_575] {strides = array<i32>} : memref<160x128xf32, #tpu.memory_space<vmem>>, vector<1x16xf32>,
        %get3A_577 = vector.shape_cast %get3A_576 : vector<1x16xf32> to vector<16xf32>
        %add3A_578 = arith.addf %add3A_569, %get3A_577 : vector<16xf32>
        %mul3A_579 = arith.constant 10 : i32
        %mul3A_580 = arith.muli %scan3A_121, %mul3A_579 : i32
        %add3A_581 = arith.constant 9 : i32
        %add3A_582 = arith.addi %mul3A_580, %add3A_581 : i32
        %get3A_583 = arith.index_cast %add3A_582 : i32 to index
        %get3A_584 = arith.constant 64 : index
        %get3A_585 = tpu.vector_load %arg5[%get3A_583, %get3A_584] {strides = array<i32>} : memref<160x128xf32, #tpu.memory_space<vmem>>, vector<1x16xf32>,
        %get3A_586 = vector.shape_cast %get3A_585 : vector<1x16xf32> to vector<16xf32>
        %add3A_587 = arith.addf %add3A_578, %get3A_586 : vector<16xf32>
        %mul3A_588 = arith.constant 1.000000e-01 : f32
        %mul3A_589 = vector.broadcast %mul3A_588 : f32 to vector<16xf32>
        %mul3A_590 = arith.mulf %add3A_587, %mul3A_589 : vector<16xf32>
        %swap3A_591 = arith.index_cast %scan3A_121 : i32 to index
        %swap3A_592 = arith.constant 64 : index
        %swap3A_593 = tpu.vector_load %arg7[%swap3A_591, %swap3A_592] {strides = array<i32>} : memref<16x128xf32, #tpu.memory_space<vmem>>, vector<1x16xf32>,
        %swap3A_594 = vector.shape_cast %swap3A_593 : vector<1x16xf32> to vector<16xf32>
        %swap3A_595 = vector.shape_cast %mul3A_590 : vector<16xf32> to vector<1x16xf32>
        tpu.vector_store %arg7[%swap3A_591, %swap3A_592], %swap3A_595 {strides = array<i32>} : memref<16x128xf32, #tpu.memory_space<vmem>>, vector<1x16xf32>,
        %mul3A_596 = arith.constant 10 : i32
        %mul3A_597 = arith.muli %scan3A_121, %mul3A_596 : i32
        %get3A_598 = arith.index_cast %mul3A_597 : i32 to index
        %get3A_599 = arith.constant 80 : index
        %get3A_600 = tpu.vector_load %arg5[%get3A_598, %get3A_599] {strides = array<i32>} : memref<160x128xf32, #tpu.memory_space<vmem>>, vector<1x16xf32>,
        %get3A_601 = vector.shape_cast %get3A_600 : vector<1x16xf32> to vector<16xf32>
        %mul3A_602 = arith.constant 10 : i32
        %mul3A_603 = arith.muli %scan3A_121, %mul3A_602 : i32
        %add3A_604 = arith.constant 1 : i32
        %add3A_605 = arith.addi %mul3A_603, %add3A_604 : i32
        %get3A_606 = arith.index_cast %add3A_605 : i32 to index
        %get3A_607 = arith.constant 80 : index
        %get3A_608 = tpu.vector_load %arg5[%get3A_606, %get3A_607] {strides = array<i32>} : memref<160x128xf32, #tpu.memory_space<vmem>>, vector<1x16xf32>,
        %get3A_609 = vector.shape_cast %get3A_608 : vector<1x16xf32> to vector<16xf32>
        %add3A_610 = arith.addf %get3A_601, %get3A_609 : vector<16xf32>
        %mul3A_611 = arith.constant 10 : i32
        %mul3A_612 = arith.muli %scan3A_121, %mul3A_611 : i32
        %add3A_613 = arith.constant 2 : i32
        %add3A_614 = arith.addi %mul3A_612, %add3A_613 : i32
        %get3A_615 = arith.index_cast %add3A_614 : i32 to index
        %get3A_616 = arith.constant 80 : index
        %get3A_617 = tpu.vector_load %arg5[%get3A_615, %get3A_616] {strides = array<i32>} : memref<160x128xf32, #tpu.memory_space<vmem>>, vector<1x16xf32>,
        %get3A_618 = vector.shape_cast %get3A_617 : vector<1x16xf32> to vector<16xf32>
        %add3A_619 = arith.addf %add3A_610, %get3A_618 : vector<16xf32>
        %mul3A_620 = arith.constant 10 : i32
        %mul3A_621 = arith.muli %scan3A_121, %mul3A_620 : i32
        %add3A_622 = arith.constant 3 : i32
        %add3A_623 = arith.addi %mul3A_621, %add3A_622 : i32
        %get3A_624 = arith.index_cast %add3A_623 : i32 to index
        %get3A_625 = arith.constant 80 : index
        %get3A_626 = tpu.vector_load %arg5[%get3A_624, %get3A_625] {strides = array<i32>} : memref<160x128xf32, #tpu.memory_space<vmem>>, vector<1x16xf32>,
        %get3A_627 = vector.shape_cast %get3A_626 : vector<1x16xf32> to vector<16xf32>
        %add3A_628 = arith.addf %add3A_619, %get3A_627 : vector<16xf32>
        %mul3A_629 = arith.constant 10 : i32
        %mul3A_630 = arith.muli %scan3A_121, %mul3A_629 : i32
        %add3A_631 = arith.constant 4 : i32
        %add3A_632 = arith.addi %mul3A_630, %add3A_631 : i32
        %get3A_633 = arith.index_cast %add3A_632 : i32 to index
        %get3A_634 = arith.constant 80 : index
        %get3A_635 = tpu.vector_load %arg5[%get3A_633, %get3A_634] {strides = array<i32>} : memref<160x128xf32, #tpu.memory_space<vmem>>, vector<1x16xf32>,
        %get3A_636 = vector.shape_cast %get3A_635 : vector<1x16xf32> to vector<16xf32>
        %add3A_637 = arith.addf %add3A_628, %get3A_636 : vector<16xf32>
        %mul3A_638 = arith.constant 10 : i32
        %mul3A_639 = arith.muli %scan3A_121, %mul3A_638 : i32
        %add3A_640 = arith.constant 5 : i32
        %add3A_641 = arith.addi %mul3A_639, %add3A_640 : i32
        %get3A_642 = arith.index_cast %add3A_641 : i32 to index
        %get3A_643 = arith.constant 80 : index
        %get3A_644 = tpu.vector_load %arg5[%get3A_642, %get3A_643] {strides = array<i32>} : memref<160x128xf32, #tpu.memory_space<vmem>>, vector<1x16xf32>,
        %get3A_645 = vector.shape_cast %get3A_644 : vector<1x16xf32> to vector<16xf32>
        %add3A_646 = arith.addf %add3A_637, %get3A_645 : vector<16xf32>
        %mul3A_647 = arith.constant 10 : i32
        %mul3A_648 = arith.muli %scan3A_121, %mul3A_647 : i32
        %add3A_649 = arith.constant 6 : i32
        %add3A_650 = arith.addi %mul3A_648, %add3A_649 : i32
        %get3A_651 = arith.index_cast %add3A_650 : i32 to index
        %get3A_652 = arith.constant 80 : index
        %get3A_653 = tpu.vector_load %arg5[%get3A_651, %get3A_652] {strides = array<i32>} : memref<160x128xf32, #tpu.memory_space<vmem>>, vector<1x16xf32>,
        %get3A_654 = vector.shape_cast %get3A_653 : vector<1x16xf32> to vector<16xf32>
        %add3A_655 = arith.addf %add3A_646, %get3A_654 : vector<16xf32>
        %mul3A_656 = arith.constant 10 : i32
        %mul3A_657 = arith.muli %scan3A_121, %mul3A_656 : i32
        %add3A_658 = arith.constant 7 : i32
        %add3A_659 = arith.addi %mul3A_657, %add3A_658 : i32
        %get3A_660 = arith.index_cast %add3A_659 : i32 to index
        %get3A_661 = arith.constant 80 : index
        %get3A_662 = tpu.vector_load %arg5[%get3A_660, %get3A_661] {strides = array<i32>} : memref<160x128xf32, #tpu.memory_space<vmem>>, vector<1x16xf32>,
        %get3A_663 = vector.shape_cast %get3A_662 : vector<1x16xf32> to vector<16xf32>
        %add3A_664 = arith.addf %add3A_655, %get3A_663 : vector<16xf32>
        %mul3A_665 = arith.constant 10 : i32
        %mul3A_666 = arith.muli %scan3A_121, %mul3A_665 : i32
        %add3A_667 = arith.constant 8 : i32
        %add3A_668 = arith.addi %mul3A_666, %add3A_667 : i32
        %get3A_669 = arith.index_cast %add3A_668 : i32 to index
        %get3A_670 = arith.constant 80 : index
        %get3A_671 = tpu.vector_load %arg5[%get3A_669, %get3A_670] {strides = array<i32>} : memref<160x128xf32, #tpu.memory_space<vmem>>, vector<1x16xf32>,
        %get3A_672 = vector.shape_cast %get3A_671 : vector<1x16xf32> to vector<16xf32>
        %add3A_673 = arith.addf %add3A_664, %get3A_672 : vector<16xf32>
        %mul3A_674 = arith.constant 10 : i32
        %mul3A_675 = arith.muli %scan3A_121, %mul3A_674 : i32
        %add3A_676 = arith.constant 9 : i32
        %add3A_677 = arith.addi %mul3A_675, %add3A_676 : i32
        %get3A_678 = arith.index_cast %add3A_677 : i32 to index
        %get3A_679 = arith.constant 80 : index
        %get3A_680 = tpu.vector_load %arg5[%get3A_678, %get3A_679] {strides = array<i32>} : memref<160x128xf32, #tpu.memory_space<vmem>>, vector<1x16xf32>,
        %get3A_681 = vector.shape_cast %get3A_680 : vector<1x16xf32> to vector<16xf32>
        %add3A_682 = arith.addf %add3A_673, %get3A_681 : vector<16xf32>
        %mul3A_683 = arith.constant 1.000000e-01 : f32
        %mul3A_684 = vector.broadcast %mul3A_683 : f32 to vector<16xf32>
        %mul3A_685 = arith.mulf %add3A_682, %mul3A_684 : vector<16xf32>
        %swap3A_686 = arith.index_cast %scan3A_121 : i32 to index
        %swap3A_687 = arith.constant 80 : index
        %swap3A_688 = tpu.vector_load %arg7[%swap3A_686, %swap3A_687] {strides = array<i32>} : memref<16x128xf32, #tpu.memory_space<vmem>>, vector<1x16xf32>,
        %swap3A_689 = vector.shape_cast %swap3A_688 : vector<1x16xf32> to vector<16xf32>
        %swap3A_690 = vector.shape_cast %mul3A_685 : vector<16xf32> to vector<1x16xf32>
        tpu.vector_store %arg7[%swap3A_686, %swap3A_687], %swap3A_690 {strides = array<i32>} : memref<16x128xf32, #tpu.memory_space<vmem>>, vector<1x16xf32>,
        %mul3A_691 = arith.constant 10 : i32
        %mul3A_692 = arith.muli %scan3A_121, %mul3A_691 : i32
        %get3A_693 = arith.index_cast %mul3A_692 : i32 to index
        %get3A_694 = arith.constant 96 : index
        %get3A_695 = tpu.vector_load %arg5[%get3A_693, %get3A_694] {strides = array<i32>} : memref<160x128xf32, #tpu.memory_space<vmem>>, vector<1x16xf32>,
        %get3A_696 = vector.shape_cast %get3A_695 : vector<1x16xf32> to vector<16xf32>
        %mul3A_697 = arith.constant 10 : i32
        %mul3A_698 = arith.muli %scan3A_121, %mul3A_697 : i32
        %add3A_699 = arith.constant 1 : i32
        %add3A_700 = arith.addi %mul3A_698, %add3A_699 : i32
        %get3A_701 = arith.index_cast %add3A_700 : i32 to index
        %get3A_702 = arith.constant 96 : index
        %get3A_703 = tpu.vector_load %arg5[%get3A_701, %get3A_702] {strides = array<i32>} : memref<160x128xf32, #tpu.memory_space<vmem>>, vector<1x16xf32>,
        %get3A_704 = vector.shape_cast %get3A_703 : vector<1x16xf32> to vector<16xf32>
        %add3A_705 = arith.addf %get3A_696, %get3A_704 : vector<16xf32>
        %mul3A_706 = arith.constant 10 : i32
        %mul3A_707 = arith.muli %scan3A_121, %mul3A_706 : i32
        %add3A_708 = arith.constant 2 : i32
        %add3A_709 = arith.addi %mul3A_707, %add3A_708 : i32
        %get3A_710 = arith.index_cast %add3A_709 : i32 to index
        %get3A_711 = arith.constant 96 : index
        %get3A_712 = tpu.vector_load %arg5[%get3A_710, %get3A_711] {strides = array<i32>} : memref<160x128xf32, #tpu.memory_space<vmem>>, vector<1x16xf32>,
        %get3A_713 = vector.shape_cast %get3A_712 : vector<1x16xf32> to vector<16xf32>
        %add3A_714 = arith.addf %add3A_705, %get3A_713 : vector<16xf32>
        %mul3A_715 = arith.constant 10 : i32
        %mul3A_716 = arith.muli %scan3A_121, %mul3A_715 : i32
        %add3A_717 = arith.constant 3 : i32
        %add3A_718 = arith.addi %mul3A_716, %add3A_717 : i32
        %get3A_719 = arith.index_cast %add3A_718 : i32 to index
        %get3A_720 = arith.constant 96 : index
        %get3A_721 = tpu.vector_load %arg5[%get3A_719, %get3A_720] {strides = array<i32>} : memref<160x128xf32, #tpu.memory_space<vmem>>, vector<1x16xf32>,
        %get3A_722 = vector.shape_cast %get3A_721 : vector<1x16xf32> to vector<16xf32>
        %add3A_723 = arith.addf %add3A_714, %get3A_722 : vector<16xf32>
        %mul3A_724 = arith.constant 10 : i32
        %mul3A_725 = arith.muli %scan3A_121, %mul3A_724 : i32
        %add3A_726 = arith.constant 4 : i32
        %add3A_727 = arith.addi %mul3A_725, %add3A_726 : i32
        %get3A_728 = arith.index_cast %add3A_727 : i32 to index
        %get3A_729 = arith.constant 96 : index
        %get3A_730 = tpu.vector_load %arg5[%get3A_728, %get3A_729] {strides = array<i32>} : memref<160x128xf32, #tpu.memory_space<vmem>>, vector<1x16xf32>,
        %get3A_731 = vector.shape_cast %get3A_730 : vector<1x16xf32> to vector<16xf32>
        %add3A_732 = arith.addf %add3A_723, %get3A_731 : vector<16xf32>
        %mul3A_733 = arith.constant 10 : i32
        %mul3A_734 = arith.muli %scan3A_121, %mul3A_733 : i32
        %add3A_735 = arith.constant 5 : i32
        %add3A_736 = arith.addi %mul3A_734, %add3A_735 : i32
        %get3A_737 = arith.index_cast %add3A_736 : i32 to index
        %get3A_738 = arith.constant 96 : index
        %get3A_739 = tpu.vector_load %arg5[%get3A_737, %get3A_738] {strides = array<i32>} : memref<160x128xf32, #tpu.memory_space<vmem>>, vector<1x16xf32>,
        %get3A_740 = vector.shape_cast %get3A_739 : vector<1x16xf32> to vector<16xf32>
        %add3A_741 = arith.addf %add3A_732, %get3A_740 : vector<16xf32>
        %mul3A_742 = arith.constant 10 : i32
        %mul3A_743 = arith.muli %scan3A_121, %mul3A_742 : i32
        %add3A_744 = arith.constant 6 : i32
        %add3A_745 = arith.addi %mul3A_743, %add3A_744 : i32
        %get3A_746 = arith.index_cast %add3A_745 : i32 to index
        %get3A_747 = arith.constant 96 : index
        %get3A_748 = tpu.vector_load %arg5[%get3A_746, %get3A_747] {strides = array<i32>} : memref<160x128xf32, #tpu.memory_space<vmem>>, vector<1x16xf32>,
        %get3A_749 = vector.shape_cast %get3A_748 : vector<1x16xf32> to vector<16xf32>
        %add3A_750 = arith.addf %add3A_741, %get3A_749 : vector<16xf32>
        %mul3A_751 = arith.constant 10 : i32
        %mul3A_752 = arith.muli %scan3A_121, %mul3A_751 : i32
        %add3A_753 = arith.constant 7 : i32
        %add3A_754 = arith.addi %mul3A_752, %add3A_753 : i32
        %get3A_755 = arith.index_cast %add3A_754 : i32 to index
        %get3A_756 = arith.constant 96 : index
        %get3A_757 = tpu.vector_load %arg5[%get3A_755, %get3A_756] {strides = array<i32>} : memref<160x128xf32, #tpu.memory_space<vmem>>, vector<1x16xf32>,
        %get3A_758 = vector.shape_cast %get3A_757 : vector<1x16xf32> to vector<16xf32>
        %add3A_759 = arith.addf %add3A_750, %get3A_758 : vector<16xf32>
        %mul3A_760 = arith.constant 10 : i32
        %mul3A_761 = arith.muli %scan3A_121, %mul3A_760 : i32
        %add3A_762 = arith.constant 8 : i32
        %add3A_763 = arith.addi %mul3A_761, %add3A_762 : i32
        %get3A_764 = arith.index_cast %add3A_763 : i32 to index
        %get3A_765 = arith.constant 96 : index
        %get3A_766 = tpu.vector_load %arg5[%get3A_764, %get3A_765] {strides = array<i32>} : memref<160x128xf32, #tpu.memory_space<vmem>>, vector<1x16xf32>,
        %get3A_767 = vector.shape_cast %get3A_766 : vector<1x16xf32> to vector<16xf32>
        %add3A_768 = arith.addf %add3A_759, %get3A_767 : vector<16xf32>
        %mul3A_769 = arith.constant 10 : i32
        %mul3A_770 = arith.muli %scan3A_121, %mul3A_769 : i32
        %add3A_771 = arith.constant 9 : i32
        %add3A_772 = arith.addi %mul3A_770, %add3A_771 : i32
        %get3A_773 = arith.index_cast %add3A_772 : i32 to index
        %get3A_774 = arith.constant 96 : index
        %get3A_775 = tpu.vector_load %arg5[%get3A_773, %get3A_774] {strides = array<i32>} : memref<160x128xf32, #tpu.memory_space<vmem>>, vector<1x16xf32>,
        %get3A_776 = vector.shape_cast %get3A_775 : vector<1x16xf32> to vector<16xf32>
        %add3A_777 = arith.addf %add3A_768, %get3A_776 : vector<16xf32>
        %mul3A_778 = arith.constant 1.000000e-01 : f32
        %mul3A_779 = vector.broadcast %mul3A_778 : f32 to vector<16xf32>
        %mul3A_780 = arith.mulf %add3A_777, %mul3A_779 : vector<16xf32>
        %swap3A_781 = arith.index_cast %scan3A_121 : i32 to index
        %swap3A_782 = arith.constant 96 : index
        %swap3A_783 = tpu.vector_load %arg7[%swap3A_781, %swap3A_782] {strides = array<i32>} : memref<16x128xf32, #tpu.memory_space<vmem>>, vector<1x16xf32>,
        %swap3A_784 = vector.shape_cast %swap3A_783 : vector<1x16xf32> to vector<16xf32>
        %swap3A_785 = vector.shape_cast %mul3A_780 : vector<16xf32> to vector<1x16xf32>
        tpu.vector_store %arg7[%swap3A_781, %swap3A_782], %swap3A_785 {strides = array<i32>} : memref<16x128xf32, #tpu.memory_space<vmem>>, vector<1x16xf32>,
        %mul3A_786 = arith.constant 10 : i32
        %mul3A_787 = arith.muli %scan3A_121, %mul3A_786 : i32
        %get3A_788 = arith.index_cast %mul3A_787 : i32 to index
        %get3A_789 = arith.constant 112 : index
        %get3A_790 = tpu.vector_load %arg5[%get3A_788, %get3A_789] {strides = array<i32>} : memref<160x128xf32, #tpu.memory_space<vmem>>, vector<1x16xf32>,
        %get3A_791 = vector.shape_cast %get3A_790 : vector<1x16xf32> to vector<16xf32>
        %mul3A_792 = arith.constant 10 : i32
        %mul3A_793 = arith.muli %scan3A_121, %mul3A_792 : i32
        %add3A_794 = arith.constant 1 : i32
        %add3A_795 = arith.addi %mul3A_793, %add3A_794 : i32
        %get3A_796 = arith.index_cast %add3A_795 : i32 to index
        %get3A_797 = arith.constant 112 : index
        %get3A_798 = tpu.vector_load %arg5[%get3A_796, %get3A_797] {strides = array<i32>} : memref<160x128xf32, #tpu.memory_space<vmem>>, vector<1x16xf32>,
        %get3A_799 = vector.shape_cast %get3A_798 : vector<1x16xf32> to vector<16xf32>
        %add3A_800 = arith.addf %get3A_791, %get3A_799 : vector<16xf32>
        %mul3A_801 = arith.constant 10 : i32
        %mul3A_802 = arith.muli %scan3A_121, %mul3A_801 : i32
        %add3A_803 = arith.constant 2 : i32
        %add3A_804 = arith.addi %mul3A_802, %add3A_803 : i32
        %get3A_805 = arith.index_cast %add3A_804 : i32 to index
        %get3A_806 = arith.constant 112 : index
        %get3A_807 = tpu.vector_load %arg5[%get3A_805, %get3A_806] {strides = array<i32>} : memref<160x128xf32, #tpu.memory_space<vmem>>, vector<1x16xf32>,
        %get3A_808 = vector.shape_cast %get3A_807 : vector<1x16xf32> to vector<16xf32>
        %add3A_809 = arith.addf %add3A_800, %get3A_808 : vector<16xf32>
        %mul3A_810 = arith.constant 10 : i32
        %mul3A_811 = arith.muli %scan3A_121, %mul3A_810 : i32
        %add3A_812 = arith.constant 3 : i32
        %add3A_813 = arith.addi %mul3A_811, %add3A_812 : i32
        %get3A_814 = arith.index_cast %add3A_813 : i32 to index
        %get3A_815 = arith.constant 112 : index
        %get3A_816 = tpu.vector_load %arg5[%get3A_814, %get3A_815] {strides = array<i32>} : memref<160x128xf32, #tpu.memory_space<vmem>>, vector<1x16xf32>,
        %get3A_817 = vector.shape_cast %get3A_816 : vector<1x16xf32> to vector<16xf32>
        %add3A_818 = arith.addf %add3A_809, %get3A_817 : vector<16xf32>
        %mul3A_819 = arith.constant 10 : i32
        %mul3A_820 = arith.muli %scan3A_121, %mul3A_819 : i32
        %add3A_821 = arith.constant 4 : i32
        %add3A_822 = arith.addi %mul3A_820, %add3A_821 : i32
        %get3A_823 = arith.index_cast %add3A_822 : i32 to index
        %get3A_824 = arith.constant 112 : index
        %get3A_825 = tpu.vector_load %arg5[%get3A_823, %get3A_824] {strides = array<i32>} : memref<160x128xf32, #tpu.memory_space<vmem>>, vector<1x16xf32>,
        %get3A_826 = vector.shape_cast %get3A_825 : vector<1x16xf32> to vector<16xf32>
        %add3A_827 = arith.addf %add3A_818, %get3A_826 : vector<16xf32>
        %mul3A_828 = arith.constant 10 : i32
        %mul3A_829 = arith.muli %scan3A_121, %mul3A_828 : i32
        %add3A_830 = arith.constant 5 : i32
        %add3A_831 = arith.addi %mul3A_829, %add3A_830 : i32
        %get3A_832 = arith.index_cast %add3A_831 : i32 to index
        %get3A_833 = arith.constant 112 : index
        %get3A_834 = tpu.vector_load %arg5[%get3A_832, %get3A_833] {strides = array<i32>} : memref<160x128xf32, #tpu.memory_space<vmem>>, vector<1x16xf32>,
        %get3A_835 = vector.shape_cast %get3A_834 : vector<1x16xf32> to vector<16xf32>
        %add3A_836 = arith.addf %add3A_827, %get3A_835 : vector<16xf32>
        %mul3A_837 = arith.constant 10 : i32
        %mul3A_838 = arith.muli %scan3A_121, %mul3A_837 : i32
        %add3A_839 = arith.constant 6 : i32
        %add3A_840 = arith.addi %mul3A_838, %add3A_839 : i32
        %get3A_841 = arith.index_cast %add3A_840 : i32 to index
        %get3A_842 = arith.constant 112 : index
        %get3A_843 = tpu.vector_load %arg5[%get3A_841, %get3A_842] {strides = array<i32>} : memref<160x128xf32, #tpu.memory_space<vmem>>, vector<1x16xf32>,
        %get3A_844 = vector.shape_cast %get3A_843 : vector<1x16xf32> to vector<16xf32>
        %add3A_845 = arith.addf %add3A_836, %get3A_844 : vector<16xf32>
        %mul3A_846 = arith.constant 10 : i32
        %mul3A_847 = arith.muli %scan3A_121, %mul3A_846 : i32
        %add3A_848 = arith.constant 7 : i32
        %add3A_849 = arith.addi %mul3A_847, %add3A_848 : i32
        %get3A_850 = arith.index_cast %add3A_849 : i32 to index
        %get3A_851 = arith.constant 112 : index
        %get3A_852 = tpu.vector_load %arg5[%get3A_850, %get3A_851] {strides = array<i32>} : memref<160x128xf32, #tpu.memory_space<vmem>>, vector<1x16xf32>,
        %get3A_853 = vector.shape_cast %get3A_852 : vector<1x16xf32> to vector<16xf32>
        %add3A_854 = arith.addf %add3A_845, %get3A_853 : vector<16xf32>
        %mul3A_855 = arith.constant 10 : i32
        %mul3A_856 = arith.muli %scan3A_121, %mul3A_855 : i32
        %add3A_857 = arith.constant 8 : i32
        %add3A_858 = arith.addi %mul3A_856, %add3A_857 : i32
        %get3A_859 = arith.index_cast %add3A_858 : i32 to index
        %get3A_860 = arith.constant 112 : index
        %get3A_861 = tpu.vector_load %arg5[%get3A_859, %get3A_860] {strides = array<i32>} : memref<160x128xf32, #tpu.memory_space<vmem>>, vector<1x16xf32>,
        %get3A_862 = vector.shape_cast %get3A_861 : vector<1x16xf32> to vector<16xf32>
        %add3A_863 = arith.addf %add3A_854, %get3A_862 : vector<16xf32>
        %mul3A_864 = arith.constant 10 : i32
        %mul3A_865 = arith.muli %scan3A_121, %mul3A_864 : i32
        %add3A_866 = arith.constant 9 : i32
        %add3A_867 = arith.addi %mul3A_865, %add3A_866 : i32
        %get3A_868 = arith.index_cast %add3A_867 : i32 to index
        %get3A_869 = arith.constant 112 : index
        %get3A_870 = tpu.vector_load %arg5[%get3A_868, %get3A_869] {strides = array<i32>} : memref<160x128xf32, #tpu.memory_space<vmem>>, vector<1x16xf32>,
        %get3A_871 = vector.shape_cast %get3A_870 : vector<1x16xf32> to vector<16xf32>
        %add3A_872 = arith.addf %add3A_863, %get3A_871 : vector<16xf32>
        %mul3A_873 = arith.constant 1.000000e-01 : f32
        %mul3A_874 = vector.broadcast %mul3A_873 : f32 to vector<16xf32>
        %mul3A_875 = arith.mulf %add3A_872, %mul3A_874 : vector<16xf32>
        %swap3A_876 = arith.index_cast %scan3A_121 : i32 to index
        %swap3A_877 = arith.constant 112 : index
        %swap3A_878 = tpu.vector_load %arg7[%swap3A_876, %swap3A_877] {strides = array<i32>} : memref<16x128xf32, #tpu.memory_space<vmem>>, vector<1x16xf32>,
        %swap3A_879 = vector.shape_cast %swap3A_878 : vector<1x16xf32> to vector<16xf32>
        %swap3A_880 = vector.shape_cast %mul3A_875 : vector<16xf32> to vector<1x16xf32>
        tpu.vector_store %arg7[%swap3A_876, %swap3A_877], %swap3A_880 {strides = array<i32>} : memref<16x128xf32, #tpu.memory_space<vmem>>, vector<1x16xf32>,
        %scan3A_881 = arith.constant 0 : i32
        scf.yield %scan3A_881 : i32
      }
      %scan3A_105 = arith.constant 16 : i32
      %mul3A_106 = arith.constant 16 : i32
      %mul3A_107 = arith.muli %add3A_82, %mul3A_106 : i32
      %add3A_108 = arith.addi %min3A_3, %mul3A_107 : i32
      %dma_start3A_109 = arith.constant 0 : i32
      %dma_start3A_110 = tpu.memref_slice %arg3[%add3A_108, %dma_start3A_109] : memref<50000x128xf32, #tpu.memory_space<hbm>> -> memref<16x128xf32, #tpu.memory_space<hbm>>
      %dma_start3A_111 = arith.constant 0 : i32
      %dma_start3A_112 = tpu.memref_slice %arg3[%add3A_108, %dma_start3A_111] : memref<50000x128xf32, #tpu.memory_space<hbm>> -> memref<16x128xf32, #tpu.memory_space<hbm>>
      tpu.enqueue_dma source(%arg7 : memref<16x128xf32, #tpu.memory_space<vmem>>) target(%dma_start3A_112 : memref<16x128xf32, #tpu.memory_space<hbm>>) target_semaphore(%arg11 : memref<!tpu.dma_semaphore, #tpu.memory_space<semaphore_mem>>)
      %add3A_113 = arith.constant 2 : i32
      %add3A_114 = arith.addi %add3A_82, %add3A_113 : i32
      %lt3A_115 = arith.constant 98 : i32
      %lt3A_116 = arith.cmpi slt, %add3A_114, %lt3A_115 : i32
      %convert_element_type3A_117 = arith.extui %lt3A_116 : i1 to i32
      %cond3A_118 = arith.constant 0 : i32
      %cond3A_119 = arith.cmpi ne, %convert_element_type3A_117, %cond3A_118 : i32
      scf.if %cond3A_119 {
        %add3A_121 = arith.constant 2 : i32
        %add3A_122 = arith.addi %add3A_82, %add3A_121 : i32
        %add3A_123 = arith.constant 0 : i32
        %add3A_124 = arith.addi %add3A_123, %min3A_3 : i32
        %mul3A_125 = arith.constant 16 : i32
        %mul3A_126 = arith.muli %add3A_122, %mul3A_125 : i32
        %add3A_127 = arith.addi %add3A_124, %mul3A_126 : i32
        %mul3A_128 = arith.constant 10 : i32
        %mul3A_129 = arith.muli %add3A_127, %mul3A_128 : i32
        %dma_start3A_130 = arith.constant 0 : i32
        %dma_start3A_131 = tpu.memref_slice %arg2[%mul3A_129, %dma_start3A_130] : memref<500000x128xf32, #tpu.memory_space<hbm>> -> memref<160x128xf32, #tpu.memory_space<hbm>>
        %dma_start3A_132 = arith.constant 0 : i32
        %dma_start3A_133 = tpu.memref_slice %arg2[%mul3A_129, %dma_start3A_132] : memref<500000x128xf32, #tpu.memory_space<hbm>> -> memref<160x128xf32, #tpu.memory_space<hbm>>
        tpu.enqueue_dma source(%dma_start3A_133 : memref<160x128xf32, #tpu.memory_space<hbm>>) target(%arg5 : memref<160x128xf32, #tpu.memory_space<vmem>>) target_semaphore(%arg9 : memref<!tpu.dma_semaphore, #tpu.memory_space<semaphore_mem>>)
      } else {
      }
      %scan3A_120 = arith.constant 0 : i32
      scf.yield %scan3A_120 : i32
    }
    %scan3A_28 = arith.constant 49 : i32
    %add3A_29 = arith.constant 1536 : i32
    %add3A_30 = arith.addi %min3A_3, %add3A_29 : i32
    %dma_wait3A = arith.constant 0 : i32
    %dma_wait3A_31 = tpu.memref_slice %arg3[%add3A_30, %dma_wait3A] : memref<50000x128xf32, #tpu.memory_space<hbm>> -> memref<16x128xf32, #tpu.memory_space<hbm>>
    %dma_wait3A_32 = arith.constant 0 : i32
    %dma_wait3A_33 = tpu.memref_slice %arg3[%add3A_30, %dma_wait3A_32] : memref<50000x128xf32, #tpu.memory_space<hbm>> -> memref<16x128xf32, #tpu.memory_space<hbm>>
    tpu.wait_dma2 semaphore(%arg10 : memref<!tpu.dma_semaphore, #tpu.memory_space<semaphore_mem>>) src(%arg6 : memref<16x128xf32, #tpu.memory_space<vmem>>) dst(%dma_wait3A_33 : memref<16x128xf32, #tpu.memory_space<hbm>>)
    %add3A_34 = arith.constant 1552 : i32
    %add3A_35 = arith.addi %min3A_3, %add3A_34 : i32
    %dma_wait3A_36 = arith.constant 0 : i32
    %dma_wait3A_37 = tpu.memref_slice %arg3[%add3A_35, %dma_wait3A_36] : memref<50000x128xf32, #tpu.memory_space<hbm>> -> memref<16x128xf32, #tpu.memory_space<hbm>>
    %dma_wait3A_38 = arith.constant 0 : i32
    %dma_wait3A_39 = tpu.memref_slice %arg3[%add3A_35, %dma_wait3A_38] : memref<50000x128xf32, #tpu.memory_space<hbm>> -> memref<16x128xf32, #tpu.memory_space<hbm>>
    tpu.wait_dma2 semaphore(%arg11 : memref<!tpu.dma_semaphore, #tpu.memory_space<semaphore_mem>>) src(%arg7 : memref<16x128xf32, #tpu.memory_space<vmem>>) dst(%dma_wait3A_39 : memref<16x128xf32, #tpu.memory_space<hbm>>)
    return
  }
}

module attributes {stable_mosaic.version = 14 : i64} {
  func.func @_tc_m2_body(%arg0: i32, %arg1: memref<1000x128xf32, #tpu.memory_space<vmem>>, %arg2: memref<1000x1280xf32, #tpu.memory_space<vmem>>, %arg3: memref<1000x1280xf32, #tpu.memory_space<vmem>>, %arg4: memref<128x256xf32, #tpu.memory_space<vmem>>, %arg5: memref<1x256xf32, #tpu.memory_space<vmem>>, %arg6: memref<128x256xf32, #tpu.memory_space<vmem>>, %arg7: memref<256x256xf32, #tpu.memory_space<vmem>>, %arg8: memref<1x256xf32, #tpu.memory_space<vmem>>, %arg9: memref<256x256xf32, #tpu.memory_space<vmem>>, %arg10: memref<1000x256xf32, #tpu.memory_space<vmem>>) attributes {dimension_semantics = [#tpu.dimension_semantics<arbitrary>], iteration_bounds = array<i64: 5>, scalar_prefetch = 0 : i64, scratch_operands = 0 : i64, tpu.core_type = #tpu.core_type<tc>, window_params = [{transform_indices = @transform_0, window_bounds = array<i64: 1000, 128>}, {transform_indices = @transform_1, window_bounds = array<i64: 1000, 1280>}, {transform_indices = @transform_2, window_bounds = array<i64: 1000, 1280>}, {pipeline_mode = #tpu.pipeline_mode<synchronous>, transform_indices = @transform_3, window_bounds = array<i64: 128, 256>}, {pipeline_mode = #tpu.pipeline_mode<synchronous>, transform_indices = @transform_4, window_bounds = array<i64: 1, 256>}, {pipeline_mode = #tpu.pipeline_mode<synchronous>, transform_indices = @transform_5, window_bounds = array<i64: 128, 256>}, {pipeline_mode = #tpu.pipeline_mode<synchronous>, transform_indices = @transform_6, window_bounds = array<i64: 256, 256>}, {pipeline_mode = #tpu.pipeline_mode<synchronous>, transform_indices = @transform_7, window_bounds = array<i64: 1, 256>}, {pipeline_mode = #tpu.pipeline_mode<synchronous>, transform_indices = @transform_8, window_bounds = array<i64: 256, 256>}, {transform_indices = @transform_9, window_bounds = array<i64: 1000, 256>}]} {
    %get3A = arith.constant 0 : index
    %get3A_0 = arith.constant 0 : index
    %get3A_1 = vector.load %arg6[%get3A, %get3A_0] : memref<128x256xf32, #tpu.memory_space<vmem>>, vector<128x256xf32>
    %get3A_2 = arith.constant 0 : index
    %get3A_3 = arith.constant 0 : index
    %get3A_4 = vector.load %arg4[%get3A_2, %get3A_3] : memref<128x256xf32, #tpu.memory_space<vmem>>, vector<128x256xf32>
    %get3A_5 = arith.constant 0 : index
    %get3A_6 = arith.constant 0 : index
    %get3A_7 = vector.load %arg5[%get3A_5, %get3A_6] : memref<1x256xf32, #tpu.memory_space<vmem>>, vector<1x256xf32>
    %get3A_8 = arith.constant 0 : index
    %get3A_9 = arith.constant 0 : index
    %get3A_10 = vector.load %arg3[%get3A_8, %get3A_9] : memref<1000x1280xf32, #tpu.memory_space<vmem>>, vector<1000x128xf32>
    %get3A_11 = arith.constant 0 : index
    %get3A_12 = arith.constant 0 : index
    %get3A_13 = vector.load %arg2[%get3A_11, %get3A_12] : memref<1000x1280xf32, #tpu.memory_space<vmem>>, vector<1000x128xf32>
    %dot_general3A = arith.constant dense<0.000000e+00> : vector<1000x256xf32>
    %dot_general3A_14 = tpu.matmul %get3A_13, %get3A_1, %dot_general3A {dimension_numbers = #tpu.dot_dimension_numbers<[1], [0], [0], [1], [0, 0, 1, 1], [], []>, transpose_lhs_hint = false} : vector<1000x128xf32>, vector<128x256xf32>, vector<1000x256xf32> -> vector<1000x256xf32>
    %dot_general3A_15 = arith.constant dense<0.000000e+00> : vector<1000x256xf32>
    %dot_general3A_16 = tpu.matmul %get3A_10, %get3A_4, %dot_general3A_15 {dimension_numbers = #tpu.dot_dimension_numbers<[1], [0], [0], [1], [0, 0, 1, 1], [], []>, transpose_lhs_hint = false} : vector<1000x128xf32>, vector<128x256xf32>, vector<1000x256xf32> -> vector<1000x256xf32>
    %add3A = arith.addf %dot_general3A_14, %dot_general3A_16 : vector<1000x256xf32>
    %add3A_17 = vector.broadcast %get3A_7 : vector<1x256xf32> to vector<1000x256xf32>
    %add3A_18 = arith.addf %add3A, %add3A_17 : vector<1000x256xf32>
    %ge3A = arith.constant 0.000000e+00 : f32
    %ge3A_19 = vector.broadcast %ge3A : f32 to vector<1000x256xf32>
    %ge3A_20 = arith.cmpf oge, %add3A_18, %ge3A_19 : vector<1000x256xf32>
    %mul3A = arith.constant 0.00999999977 : f32
    %mul3A_21 = vector.broadcast %mul3A : f32 to vector<1000x256xf32>
    %mul3A_22 = arith.mulf %mul3A_21, %add3A_18 : vector<1000x256xf32>
    %select_n3A = arith.select %ge3A_20, %add3A_18, %mul3A_22 : vector<1000x256xi1>, vector<1000x256xf32>
    %get3A_23 = arith.constant 0 : index
    %get3A_24 = arith.constant 128 : index
    %get3A_25 = vector.load %arg3[%get3A_23, %get3A_24] : memref<1000x1280xf32, #tpu.memory_space<vmem>>, vector<1000x128xf32>
    %get3A_26 = arith.constant 0 : index
    %get3A_27 = arith.constant 128 : index
    %get3A_28 = vector.load %arg2[%get3A_26, %get3A_27] : memref<1000x1280xf32, #tpu.memory_space<vmem>>, vector<1000x128xf32>
    %dot_general3A_29 = arith.constant dense<0.000000e+00> : vector<1000x256xf32>
    %dot_general3A_30 = tpu.matmul %get3A_28, %get3A_1, %dot_general3A_29 {dimension_numbers = #tpu.dot_dimension_numbers<[1], [0], [0], [1], [0, 0, 1, 1], [], []>, transpose_lhs_hint = false} : vector<1000x128xf32>, vector<128x256xf32>, vector<1000x256xf32> -> vector<1000x256xf32>
    %dot_general3A_31 = arith.constant dense<0.000000e+00> : vector<1000x256xf32>
    %dot_general3A_32 = tpu.matmul %get3A_25, %get3A_4, %dot_general3A_31 {dimension_numbers = #tpu.dot_dimension_numbers<[1], [0], [0], [1], [0, 0, 1, 1], [], []>, transpose_lhs_hint = false} : vector<1000x128xf32>, vector<128x256xf32>, vector<1000x256xf32> -> vector<1000x256xf32>
    %add3A_33 = arith.addf %dot_general3A_30, %dot_general3A_32 : vector<1000x256xf32>
    %add3A_34 = vector.broadcast %get3A_7 : vector<1x256xf32> to vector<1000x256xf32>
    %add3A_35 = arith.addf %add3A_33, %add3A_34 : vector<1000x256xf32>
    %ge3A_36 = arith.constant 0.000000e+00 : f32
    %ge3A_37 = vector.broadcast %ge3A_36 : f32 to vector<1000x256xf32>
    %ge3A_38 = arith.cmpf oge, %add3A_35, %ge3A_37 : vector<1000x256xf32>
    %mul3A_39 = arith.constant 0.00999999977 : f32
    %mul3A_40 = vector.broadcast %mul3A_39 : f32 to vector<1000x256xf32>
    %mul3A_41 = arith.mulf %mul3A_40, %add3A_35 : vector<1000x256xf32>
    %select_n3A_42 = arith.select %ge3A_38, %add3A_35, %mul3A_41 : vector<1000x256xi1>, vector<1000x256xf32>
    %add3A_43 = arith.addf %select_n3A, %select_n3A_42 : vector<1000x256xf32>
    %add3A_44 = arith.addf %get3A_13, %get3A_28 : vector<1000x128xf32>
    %get3A_45 = arith.constant 0 : index
    %get3A_46 = arith.constant 256 : index
    %get3A_47 = vector.load %arg3[%get3A_45, %get3A_46] : memref<1000x1280xf32, #tpu.memory_space<vmem>>, vector<1000x128xf32>
    %get3A_48 = arith.constant 0 : index
    %get3A_49 = arith.constant 256 : index
    %get3A_50 = vector.load %arg2[%get3A_48, %get3A_49] : memref<1000x1280xf32, #tpu.memory_space<vmem>>, vector<1000x128xf32>
    %dot_general3A_51 = arith.constant dense<0.000000e+00> : vector<1000x256xf32>
    %dot_general3A_52 = tpu.matmul %get3A_50, %get3A_1, %dot_general3A_51 {dimension_numbers = #tpu.dot_dimension_numbers<[1], [0], [0], [1], [0, 0, 1, 1], [], []>, transpose_lhs_hint = false} : vector<1000x128xf32>, vector<128x256xf32>, vector<1000x256xf32> -> vector<1000x256xf32>
    %dot_general3A_53 = arith.constant dense<0.000000e+00> : vector<1000x256xf32>
    %dot_general3A_54 = tpu.matmul %get3A_47, %get3A_4, %dot_general3A_53 {dimension_numbers = #tpu.dot_dimension_numbers<[1], [0], [0], [1], [0, 0, 1, 1], [], []>, transpose_lhs_hint = false} : vector<1000x128xf32>, vector<128x256xf32>, vector<1000x256xf32> -> vector<1000x256xf32>
    %add3A_55 = arith.addf %dot_general3A_52, %dot_general3A_54 : vector<1000x256xf32>
    %add3A_56 = vector.broadcast %get3A_7 : vector<1x256xf32> to vector<1000x256xf32>
    %add3A_57 = arith.addf %add3A_55, %add3A_56 : vector<1000x256xf32>
    %ge3A_58 = arith.constant 0.000000e+00 : f32
    %ge3A_59 = vector.broadcast %ge3A_58 : f32 to vector<1000x256xf32>
    %ge3A_60 = arith.cmpf oge, %add3A_57, %ge3A_59 : vector<1000x256xf32>
    %mul3A_61 = arith.constant 0.00999999977 : f32
    %mul3A_62 = vector.broadcast %mul3A_61 : f32 to vector<1000x256xf32>
    %mul3A_63 = arith.mulf %mul3A_62, %add3A_57 : vector<1000x256xf32>
    %select_n3A_64 = arith.select %ge3A_60, %add3A_57, %mul3A_63 : vector<1000x256xi1>, vector<1000x256xf32>
    %add3A_65 = arith.addf %add3A_43, %select_n3A_64 : vector<1000x256xf32>
    %add3A_66 = arith.addf %add3A_44, %get3A_50 : vector<1000x128xf32>
    %get3A_67 = arith.constant 0 : index
    %get3A_68 = arith.constant 384 : index
    %get3A_69 = vector.load %arg3[%get3A_67, %get3A_68] : memref<1000x1280xf32, #tpu.memory_space<vmem>>, vector<1000x128xf32>
    %get3A_70 = arith.constant 0 : index
    %get3A_71 = arith.constant 384 : index
    %get3A_72 = vector.load %arg2[%get3A_70, %get3A_71] : memref<1000x1280xf32, #tpu.memory_space<vmem>>, vector<1000x128xf32>
    %dot_general3A_73 = arith.constant dense<0.000000e+00> : vector<1000x256xf32>
    %dot_general3A_74 = tpu.matmul %get3A_72, %get3A_1, %dot_general3A_73 {dimension_numbers = #tpu.dot_dimension_numbers<[1], [0], [0], [1], [0, 0, 1, 1], [], []>, transpose_lhs_hint = false} : vector<1000x128xf32>, vector<128x256xf32>, vector<1000x256xf32> -> vector<1000x256xf32>
    %dot_general3A_75 = arith.constant dense<0.000000e+00> : vector<1000x256xf32>
    %dot_general3A_76 = tpu.matmul %get3A_69, %get3A_4, %dot_general3A_75 {dimension_numbers = #tpu.dot_dimension_numbers<[1], [0], [0], [1], [0, 0, 1, 1], [], []>, transpose_lhs_hint = false} : vector<1000x128xf32>, vector<128x256xf32>, vector<1000x256xf32> -> vector<1000x256xf32>
    %add3A_77 = arith.addf %dot_general3A_74, %dot_general3A_76 : vector<1000x256xf32>
    %add3A_78 = vector.broadcast %get3A_7 : vector<1x256xf32> to vector<1000x256xf32>
    %add3A_79 = arith.addf %add3A_77, %add3A_78 : vector<1000x256xf32>
    %ge3A_80 = arith.constant 0.000000e+00 : f32
    %ge3A_81 = vector.broadcast %ge3A_80 : f32 to vector<1000x256xf32>
    %ge3A_82 = arith.cmpf oge, %add3A_79, %ge3A_81 : vector<1000x256xf32>
    %mul3A_83 = arith.constant 0.00999999977 : f32
    %mul3A_84 = vector.broadcast %mul3A_83 : f32 to vector<1000x256xf32>
    %mul3A_85 = arith.mulf %mul3A_84, %add3A_79 : vector<1000x256xf32>
    %select_n3A_86 = arith.select %ge3A_82, %add3A_79, %mul3A_85 : vector<1000x256xi1>, vector<1000x256xf32>
    %add3A_87 = arith.addf %add3A_65, %select_n3A_86 : vector<1000x256xf32>
    %add3A_88 = arith.addf %add3A_66, %get3A_72 : vector<1000x128xf32>
    %get3A_89 = arith.constant 0 : index
    %get3A_90 = arith.constant 512 : index
    %get3A_91 = vector.load %arg3[%get3A_89, %get3A_90] : memref<1000x1280xf32, #tpu.memory_space<vmem>>, vector<1000x128xf32>
    %get3A_92 = arith.constant 0 : index
    %get3A_93 = arith.constant 512 : index
    %get3A_94 = vector.load %arg2[%get3A_92, %get3A_93] : memref<1000x1280xf32, #tpu.memory_space<vmem>>, vector<1000x128xf32>
    %dot_general3A_95 = arith.constant dense<0.000000e+00> : vector<1000x256xf32>
    %dot_general3A_96 = tpu.matmul %get3A_94, %get3A_1, %dot_general3A_95 {dimension_numbers = #tpu.dot_dimension_numbers<[1], [0], [0], [1], [0, 0, 1, 1], [], []>, transpose_lhs_hint = false} : vector<1000x128xf32>, vector<128x256xf32>, vector<1000x256xf32> -> vector<1000x256xf32>
    %dot_general3A_97 = arith.constant dense<0.000000e+00> : vector<1000x256xf32>
    %dot_general3A_98 = tpu.matmul %get3A_91, %get3A_4, %dot_general3A_97 {dimension_numbers = #tpu.dot_dimension_numbers<[1], [0], [0], [1], [0, 0, 1, 1], [], []>, transpose_lhs_hint = false} : vector<1000x128xf32>, vector<128x256xf32>, vector<1000x256xf32> -> vector<1000x256xf32>
    %add3A_99 = arith.addf %dot_general3A_96, %dot_general3A_98 : vector<1000x256xf32>
    %add3A_100 = vector.broadcast %get3A_7 : vector<1x256xf32> to vector<1000x256xf32>
    %add3A_101 = arith.addf %add3A_99, %add3A_100 : vector<1000x256xf32>
    %ge3A_102 = arith.constant 0.000000e+00 : f32
    %ge3A_103 = vector.broadcast %ge3A_102 : f32 to vector<1000x256xf32>
    %ge3A_104 = arith.cmpf oge, %add3A_101, %ge3A_103 : vector<1000x256xf32>
    %mul3A_105 = arith.constant 0.00999999977 : f32
    %mul3A_106 = vector.broadcast %mul3A_105 : f32 to vector<1000x256xf32>
    %mul3A_107 = arith.mulf %mul3A_106, %add3A_101 : vector<1000x256xf32>
    %select_n3A_108 = arith.select %ge3A_104, %add3A_101, %mul3A_107 : vector<1000x256xi1>, vector<1000x256xf32>
    %add3A_109 = arith.addf %add3A_87, %select_n3A_108 : vector<1000x256xf32>
    %add3A_110 = arith.addf %add3A_88, %get3A_94 : vector<1000x128xf32>
    %get3A_111 = arith.constant 0 : index
    %get3A_112 = arith.constant 640 : index
    %get3A_113 = vector.load %arg3[%get3A_111, %get3A_112] : memref<1000x1280xf32, #tpu.memory_space<vmem>>, vector<1000x128xf32>
    %get3A_114 = arith.constant 0 : index
    %get3A_115 = arith.constant 640 : index
    %get3A_116 = vector.load %arg2[%get3A_114, %get3A_115] : memref<1000x1280xf32, #tpu.memory_space<vmem>>, vector<1000x128xf32>
    %dot_general3A_117 = arith.constant dense<0.000000e+00> : vector<1000x256xf32>
    %dot_general3A_118 = tpu.matmul %get3A_116, %get3A_1, %dot_general3A_117 {dimension_numbers = #tpu.dot_dimension_numbers<[1], [0], [0], [1], [0, 0, 1, 1], [], []>, transpose_lhs_hint = false} : vector<1000x128xf32>, vector<128x256xf32>, vector<1000x256xf32> -> vector<1000x256xf32>
    %dot_general3A_119 = arith.constant dense<0.000000e+00> : vector<1000x256xf32>
    %dot_general3A_120 = tpu.matmul %get3A_113, %get3A_4, %dot_general3A_119 {dimension_numbers = #tpu.dot_dimension_numbers<[1], [0], [0], [1], [0, 0, 1, 1], [], []>, transpose_lhs_hint = false} : vector<1000x128xf32>, vector<128x256xf32>, vector<1000x256xf32> -> vector<1000x256xf32>
    %add3A_121 = arith.addf %dot_general3A_118, %dot_general3A_120 : vector<1000x256xf32>
    %add3A_122 = vector.broadcast %get3A_7 : vector<1x256xf32> to vector<1000x256xf32>
    %add3A_123 = arith.addf %add3A_121, %add3A_122 : vector<1000x256xf32>
    %ge3A_124 = arith.constant 0.000000e+00 : f32
    %ge3A_125 = vector.broadcast %ge3A_124 : f32 to vector<1000x256xf32>
    %ge3A_126 = arith.cmpf oge, %add3A_123, %ge3A_125 : vector<1000x256xf32>
    %mul3A_127 = arith.constant 0.00999999977 : f32
    %mul3A_128 = vector.broadcast %mul3A_127 : f32 to vector<1000x256xf32>
    %mul3A_129 = arith.mulf %mul3A_128, %add3A_123 : vector<1000x256xf32>
    %select_n3A_130 = arith.select %ge3A_126, %add3A_123, %mul3A_129 : vector<1000x256xi1>, vector<1000x256xf32>
    %add3A_131 = arith.addf %add3A_109, %select_n3A_130 : vector<1000x256xf32>
    %add3A_132 = arith.addf %add3A_110, %get3A_116 : vector<1000x128xf32>
    %get3A_133 = arith.constant 0 : index
    %get3A_134 = arith.constant 768 : index
    %get3A_135 = vector.load %arg3[%get3A_133, %get3A_134] : memref<1000x1280xf32, #tpu.memory_space<vmem>>, vector<1000x128xf32>
    %get3A_136 = arith.constant 0 : index
    %get3A_137 = arith.constant 768 : index
    %get3A_138 = vector.load %arg2[%get3A_136, %get3A_137] : memref<1000x1280xf32, #tpu.memory_space<vmem>>, vector<1000x128xf32>
    %dot_general3A_139 = arith.constant dense<0.000000e+00> : vector<1000x256xf32>
    %dot_general3A_140 = tpu.matmul %get3A_138, %get3A_1, %dot_general3A_139 {dimension_numbers = #tpu.dot_dimension_numbers<[1], [0], [0], [1], [0, 0, 1, 1], [], []>, transpose_lhs_hint = false} : vector<1000x128xf32>, vector<128x256xf32>, vector<1000x256xf32> -> vector<1000x256xf32>
    %dot_general3A_141 = arith.constant dense<0.000000e+00> : vector<1000x256xf32>
    %dot_general3A_142 = tpu.matmul %get3A_135, %get3A_4, %dot_general3A_141 {dimension_numbers = #tpu.dot_dimension_numbers<[1], [0], [0], [1], [0, 0, 1, 1], [], []>, transpose_lhs_hint = false} : vector<1000x128xf32>, vector<128x256xf32>, vector<1000x256xf32> -> vector<1000x256xf32>
    %add3A_143 = arith.addf %dot_general3A_140, %dot_general3A_142 : vector<1000x256xf32>
    %add3A_144 = vector.broadcast %get3A_7 : vector<1x256xf32> to vector<1000x256xf32>
    %add3A_145 = arith.addf %add3A_143, %add3A_144 : vector<1000x256xf32>
    %ge3A_146 = arith.constant 0.000000e+00 : f32
    %ge3A_147 = vector.broadcast %ge3A_146 : f32 to vector<1000x256xf32>
    %ge3A_148 = arith.cmpf oge, %add3A_145, %ge3A_147 : vector<1000x256xf32>
    %mul3A_149 = arith.constant 0.00999999977 : f32
    %mul3A_150 = vector.broadcast %mul3A_149 : f32 to vector<1000x256xf32>
    %mul3A_151 = arith.mulf %mul3A_150, %add3A_145 : vector<1000x256xf32>
    %select_n3A_152 = arith.select %ge3A_148, %add3A_145, %mul3A_151 : vector<1000x256xi1>, vector<1000x256xf32>
    %add3A_153 = arith.addf %add3A_131, %select_n3A_152 : vector<1000x256xf32>
    %add3A_154 = arith.addf %add3A_132, %get3A_138 : vector<1000x128xf32>
    %get3A_155 = arith.constant 0 : index
    %get3A_156 = arith.constant 896 : index
    %get3A_157 = vector.load %arg3[%get3A_155, %get3A_156] : memref<1000x1280xf32, #tpu.memory_space<vmem>>, vector<1000x128xf32>
    %get3A_158 = arith.constant 0 : index
    %get3A_159 = arith.constant 896 : index
    %get3A_160 = vector.load %arg2[%get3A_158, %get3A_159] : memref<1000x1280xf32, #tpu.memory_space<vmem>>, vector<1000x128xf32>
    %dot_general3A_161 = arith.constant dense<0.000000e+00> : vector<1000x256xf32>
    %dot_general3A_162 = tpu.matmul %get3A_160, %get3A_1, %dot_general3A_161 {dimension_numbers = #tpu.dot_dimension_numbers<[1], [0], [0], [1], [0, 0, 1, 1], [], []>, transpose_lhs_hint = false} : vector<1000x128xf32>, vector<128x256xf32>, vector<1000x256xf32> -> vector<1000x256xf32>
    %dot_general3A_163 = arith.constant dense<0.000000e+00> : vector<1000x256xf32>
    %dot_general3A_164 = tpu.matmul %get3A_157, %get3A_4, %dot_general3A_163 {dimension_numbers = #tpu.dot_dimension_numbers<[1], [0], [0], [1], [0, 0, 1, 1], [], []>, transpose_lhs_hint = false} : vector<1000x128xf32>, vector<128x256xf32>, vector<1000x256xf32> -> vector<1000x256xf32>
    %add3A_165 = arith.addf %dot_general3A_162, %dot_general3A_164 : vector<1000x256xf32>
    %add3A_166 = vector.broadcast %get3A_7 : vector<1x256xf32> to vector<1000x256xf32>
    %add3A_167 = arith.addf %add3A_165, %add3A_166 : vector<1000x256xf32>
    %ge3A_168 = arith.constant 0.000000e+00 : f32
    %ge3A_169 = vector.broadcast %ge3A_168 : f32 to vector<1000x256xf32>
    %ge3A_170 = arith.cmpf oge, %add3A_167, %ge3A_169 : vector<1000x256xf32>
    %mul3A_171 = arith.constant 0.00999999977 : f32
    %mul3A_172 = vector.broadcast %mul3A_171 : f32 to vector<1000x256xf32>
    %mul3A_173 = arith.mulf %mul3A_172, %add3A_167 : vector<1000x256xf32>
    %select_n3A_174 = arith.select %ge3A_170, %add3A_167, %mul3A_173 : vector<1000x256xi1>, vector<1000x256xf32>
    %add3A_175 = arith.addf %add3A_153, %select_n3A_174 : vector<1000x256xf32>
    %add3A_176 = arith.addf %add3A_154, %get3A_160 : vector<1000x128xf32>
    %get3A_177 = arith.constant 0 : index
    %get3A_178 = arith.constant 1024 : index
    %get3A_179 = vector.load %arg3[%get3A_177, %get3A_178] : memref<1000x1280xf32, #tpu.memory_space<vmem>>, vector<1000x128xf32>
    %get3A_180 = arith.constant 0 : index
    %get3A_181 = arith.constant 1024 : index
    %get3A_182 = vector.load %arg2[%get3A_180, %get3A_181] : memref<1000x1280xf32, #tpu.memory_space<vmem>>, vector<1000x128xf32>
    %dot_general3A_183 = arith.constant dense<0.000000e+00> : vector<1000x256xf32>
    %dot_general3A_184 = tpu.matmul %get3A_182, %get3A_1, %dot_general3A_183 {dimension_numbers = #tpu.dot_dimension_numbers<[1], [0], [0], [1], [0, 0, 1, 1], [], []>, transpose_lhs_hint = false} : vector<1000x128xf32>, vector<128x256xf32>, vector<1000x256xf32> -> vector<1000x256xf32>
    %dot_general3A_185 = arith.constant dense<0.000000e+00> : vector<1000x256xf32>
    %dot_general3A_186 = tpu.matmul %get3A_179, %get3A_4, %dot_general3A_185 {dimension_numbers = #tpu.dot_dimension_numbers<[1], [0], [0], [1], [0, 0, 1, 1], [], []>, transpose_lhs_hint = false} : vector<1000x128xf32>, vector<128x256xf32>, vector<1000x256xf32> -> vector<1000x256xf32>
    %add3A_187 = arith.addf %dot_general3A_184, %dot_general3A_186 : vector<1000x256xf32>
    %add3A_188 = vector.broadcast %get3A_7 : vector<1x256xf32> to vector<1000x256xf32>
    %add3A_189 = arith.addf %add3A_187, %add3A_188 : vector<1000x256xf32>
    %ge3A_190 = arith.constant 0.000000e+00 : f32
    %ge3A_191 = vector.broadcast %ge3A_190 : f32 to vector<1000x256xf32>
    %ge3A_192 = arith.cmpf oge, %add3A_189, %ge3A_191 : vector<1000x256xf32>
    %mul3A_193 = arith.constant 0.00999999977 : f32
    %mul3A_194 = vector.broadcast %mul3A_193 : f32 to vector<1000x256xf32>
    %mul3A_195 = arith.mulf %mul3A_194, %add3A_189 : vector<1000x256xf32>
    %select_n3A_196 = arith.select %ge3A_192, %add3A_189, %mul3A_195 : vector<1000x256xi1>, vector<1000x256xf32>
    %add3A_197 = arith.addf %add3A_175, %select_n3A_196 : vector<1000x256xf32>
    %add3A_198 = arith.addf %add3A_176, %get3A_182 : vector<1000x128xf32>
    %get3A_199 = arith.constant 0 : index
    %get3A_200 = arith.constant 1152 : index
    %get3A_201 = vector.load %arg3[%get3A_199, %get3A_200] : memref<1000x1280xf32, #tpu.memory_space<vmem>>, vector<1000x128xf32>
    %get3A_202 = arith.constant 0 : index
    %get3A_203 = arith.constant 1152 : index
    %get3A_204 = vector.load %arg2[%get3A_202, %get3A_203] : memref<1000x1280xf32, #tpu.memory_space<vmem>>, vector<1000x128xf32>
    %dot_general3A_205 = arith.constant dense<0.000000e+00> : vector<1000x256xf32>
    %dot_general3A_206 = tpu.matmul %get3A_204, %get3A_1, %dot_general3A_205 {dimension_numbers = #tpu.dot_dimension_numbers<[1], [0], [0], [1], [0, 0, 1, 1], [], []>, transpose_lhs_hint = false} : vector<1000x128xf32>, vector<128x256xf32>, vector<1000x256xf32> -> vector<1000x256xf32>
    %dot_general3A_207 = arith.constant dense<0.000000e+00> : vector<1000x256xf32>
    %dot_general3A_208 = tpu.matmul %get3A_201, %get3A_4, %dot_general3A_207 {dimension_numbers = #tpu.dot_dimension_numbers<[1], [0], [0], [1], [0, 0, 1, 1], [], []>, transpose_lhs_hint = false} : vector<1000x128xf32>, vector<128x256xf32>, vector<1000x256xf32> -> vector<1000x256xf32>
    %add3A_209 = arith.addf %dot_general3A_206, %dot_general3A_208 : vector<1000x256xf32>
    %add3A_210 = vector.broadcast %get3A_7 : vector<1x256xf32> to vector<1000x256xf32>
    %add3A_211 = arith.addf %add3A_209, %add3A_210 : vector<1000x256xf32>
    %ge3A_212 = arith.constant 0.000000e+00 : f32
    %ge3A_213 = vector.broadcast %ge3A_212 : f32 to vector<1000x256xf32>
    %ge3A_214 = arith.cmpf oge, %add3A_211, %ge3A_213 : vector<1000x256xf32>
    %mul3A_215 = arith.constant 0.00999999977 : f32
    %mul3A_216 = vector.broadcast %mul3A_215 : f32 to vector<1000x256xf32>
    %mul3A_217 = arith.mulf %mul3A_216, %add3A_211 : vector<1000x256xf32>
    %select_n3A_218 = arith.select %ge3A_214, %add3A_211, %mul3A_217 : vector<1000x256xi1>, vector<1000x256xf32>
    %add3A_219 = arith.addf %add3A_197, %select_n3A_218 : vector<1000x256xf32>
    %add3A_220 = arith.addf %add3A_198, %get3A_204 : vector<1000x128xf32>
    %mul3A_221 = arith.constant 1.000000e-01 : f32
    %mul3A_222 = vector.broadcast %mul3A_221 : f32 to vector<1000x256xf32>
    %mul3A_223 = arith.mulf %add3A_219, %mul3A_222 : vector<1000x256xf32>
    %mul3A_224 = arith.constant 1.000000e-01 : f32
    %mul3A_225 = vector.broadcast %mul3A_224 : f32 to vector<1000x128xf32>
    %mul3A_226 = arith.mulf %add3A_220, %mul3A_225 : vector<1000x128xf32>
    %get3A_227 = arith.constant 0 : index
    %get3A_228 = arith.constant 0 : index
    %get3A_229 = vector.load %arg1[%get3A_227, %get3A_228] : memref<1000x128xf32, #tpu.memory_space<vmem>>, vector<1000x128xf32>
    %dot_general3A_230 = arith.constant dense<0.000000e+00> : vector<1000x256xf32>
    %dot_general3A_231 = tpu.matmul %get3A_229, %get3A_1, %dot_general3A_230 {dimension_numbers = #tpu.dot_dimension_numbers<[1], [0], [0], [1], [0, 0, 1, 1], [], []>, transpose_lhs_hint = false} : vector<1000x128xf32>, vector<128x256xf32>, vector<1000x256xf32> -> vector<1000x256xf32>
    %dot_general3A_232 = arith.constant dense<0.000000e+00> : vector<1000x256xf32>
    %dot_general3A_233 = tpu.matmul %mul3A_226, %get3A_4, %dot_general3A_232 {dimension_numbers = #tpu.dot_dimension_numbers<[1], [0], [0], [1], [0, 0, 1, 1], [], []>, transpose_lhs_hint = false} : vector<1000x128xf32>, vector<128x256xf32>, vector<1000x256xf32> -> vector<1000x256xf32>
    %add3A_234 = arith.addf %dot_general3A_231, %dot_general3A_233 : vector<1000x256xf32>
    %add3A_235 = vector.broadcast %get3A_7 : vector<1x256xf32> to vector<1000x256xf32>
    %add3A_236 = arith.addf %add3A_234, %add3A_235 : vector<1000x256xf32>
    %ge3A_237 = arith.constant 0.000000e+00 : f32
    %ge3A_238 = vector.broadcast %ge3A_237 : f32 to vector<1000x256xf32>
    %ge3A_239 = arith.cmpf oge, %add3A_236, %ge3A_238 : vector<1000x256xf32>
    %mul3A_240 = arith.constant 0.00999999977 : f32
    %mul3A_241 = vector.broadcast %mul3A_240 : f32 to vector<1000x256xf32>
    %mul3A_242 = arith.mulf %mul3A_241, %add3A_236 : vector<1000x256xf32>
    %select_n3A_243 = arith.select %ge3A_239, %add3A_236, %mul3A_242 : vector<1000x256xi1>, vector<1000x256xf32>
    %get3A_244 = arith.constant 0 : index
    %get3A_245 = arith.constant 0 : index
    %get3A_246 = vector.load %arg9[%get3A_244, %get3A_245] : memref<256x256xf32, #tpu.memory_space<vmem>>, vector<256x256xf32>
    %dot_general3A_247 = arith.constant dense<0.000000e+00> : vector<1000x256xf32>
    %dot_general3A_248 = tpu.matmul %select_n3A_243, %get3A_246, %dot_general3A_247 {dimension_numbers = #tpu.dot_dimension_numbers<[1], [0], [0], [1], [0, 0, 1, 1], [], []>, transpose_lhs_hint = false} : vector<1000x256xf32>, vector<256x256xf32>, vector<1000x256xf32> -> vector<1000x256xf32>
    %get3A_249 = arith.constant 0 : index
    %get3A_250 = arith.constant 0 : index
    %get3A_251 = vector.load %arg7[%get3A_249, %get3A_250] : memref<256x256xf32, #tpu.memory_space<vmem>>, vector<256x256xf32>
    %dot_general3A_252 = arith.constant dense<0.000000e+00> : vector<1000x256xf32>
    %dot_general3A_253 = tpu.matmul %mul3A_223, %get3A_251, %dot_general3A_252 {dimension_numbers = #tpu.dot_dimension_numbers<[1], [0], [0], [1], [0, 0, 1, 1], [], []>, transpose_lhs_hint = false} : vector<1000x256xf32>, vector<256x256xf32>, vector<1000x256xf32> -> vector<1000x256xf32>
    %add3A_254 = arith.addf %dot_general3A_248, %dot_general3A_253 : vector<1000x256xf32>
    %get3A_255 = arith.constant 0 : index
    %get3A_256 = arith.constant 0 : index
    %get3A_257 = vector.load %arg8[%get3A_255, %get3A_256] : memref<1x256xf32, #tpu.memory_space<vmem>>, vector<1x256xf32>
    %add3A_258 = vector.broadcast %get3A_257 : vector<1x256xf32> to vector<1000x256xf32>
    %add3A_259 = arith.addf %add3A_254, %add3A_258 : vector<1000x256xf32>
    %swap3A = arith.constant 0 : index
    %swap3A_260 = arith.constant 0 : index
    %swap3A_261 = vector.load %arg10[%swap3A, %swap3A_260] : memref<1000x256xf32, #tpu.memory_space<vmem>>, vector<1000x256xf32>
    tpu.vector_store %arg10[%swap3A, %swap3A_260], %add3A_259 {strides = array<i32>} : memref<1000x256xf32, #tpu.memory_space<vmem>>, vector<1000x256xf32>,
    return
  }
  func.func @transform_0(%arg0: i32) -> (i32, i32) {
    %c0_i32 = arith.constant 0 : i32
    %c0_i32_0 = arith.constant 0 : i32
    return %arg0, %c0_i32 : i32, i32
  }
  func.func @transform_1(%arg0: i32) -> (i32, i32) {
    %c0_i32 = arith.constant 0 : i32
    %c0_i32_0 = arith.constant 0 : i32
    return %arg0, %c0_i32 : i32, i32
  }
  func.func @transform_2(%arg0: i32) -> (i32, i32) {
    %c0_i32 = arith.constant 0 : i32
    %c0_i32_0 = arith.constant 0 : i32
    return %arg0, %c0_i32 : i32, i32
  }
  func.func @transform_3(%arg0: i32) -> (i32, i32) {
    %c0_i32 = arith.constant 0 : i32
    %c0_i32_0 = arith.constant 0 : i32
    %c0_i32_1 = arith.constant 0 : i32
    return %c0_i32, %c0_i32_0 : i32, i32
  }
  func.func @transform_4(%arg0: i32) -> (i32, i32) {
    %c0_i32 = arith.constant 0 : i32
    %c0_i32_0 = arith.constant 0 : i32
    %c0_i32_1 = arith.constant 0 : i32
    return %c0_i32, %c0_i32_0 : i32, i32
  }
  func.func @transform_5(%arg0: i32) -> (i32, i32) {
    %c0_i32 = arith.constant 0 : i32
    %c0_i32_0 = arith.constant 0 : i32
    %c0_i32_1 = arith.constant 0 : i32
    return %c0_i32, %c0_i32_0 : i32, i32
  }
  func.func @transform_6(%arg0: i32) -> (i32, i32) {
    %c0_i32 = arith.constant 0 : i32
    %c0_i32_0 = arith.constant 0 : i32
    %c0_i32_1 = arith.constant 0 : i32
    return %c0_i32, %c0_i32_0 : i32, i32
  }
  func.func @transform_7(%arg0: i32) -> (i32, i32) {
    %c0_i32 = arith.constant 0 : i32
    %c0_i32_0 = arith.constant 0 : i32
    %c0_i32_1 = arith.constant 0 : i32
    return %c0_i32, %c0_i32_0 : i32, i32
  }
  func.func @transform_8(%arg0: i32) -> (i32, i32) {
    %c0_i32 = arith.constant 0 : i32
    %c0_i32_0 = arith.constant 0 : i32
    %c0_i32_1 = arith.constant 0 : i32
    return %c0_i32, %c0_i32_0 : i32, i32
  }
  func.func @transform_9(%arg0: i32) -> (i32, i32) {
    %c0_i32 = arith.constant 0 : i32
    %c0_i32_0 = arith.constant 0 : i32
    return %arg0, %c0_i32 : i32, i32
  }
}

</mosaic_0001>

<sc_bundles>
// kernel: kernel.4.cloned.1.call-start
scs
__scs_entry_jumppad:
0x0: {  	(pc) =	sbr.rel $0x88, $3  }
0x1: {  	(tag) =	ssettag $0x0;
	lr =	simm.s32 $0x1  }
0x2: {  	[smem:$0x3F98] =	sst lr;
	_ =	strace $0xD0000000  }
0x3: {  	_ = 	snop  }
0x4: {  	_ = 	snop  }
0x5: {  	_ = 	snop  }
0x6: {  	_ = 	snop  }
0x7: {  	_ = 	snop  }
__scs_overlays_trampoline_lowered:
0x8: {  	[smem:$0x3FA7] =	sst s0  }
0x9: {  	[smem:$0x3FA8] =	sst s1  }
0xa: {  	[smem:$0x3FA9] =	sst s2  }
0xb: {  	[smem:$0x3FAA] =	sst s3  }
0xc: {  	[smem:$0x3FAB] =	sst s4  }
0xd: {  	[smem:$0x3FAC] =	sst s5  }
0xe: {  	[smem:$0x3FAD] =	sst s6  }
0xf: {  	[smem:$0x3FAE] =	sst s7  }
0x10: {  	[smem:$0x3FAF] =	sst s8  }
0x11: {  	[smem:$0x3FB0] =	sst s9;
	s0 =	simm.s32 @!p0 $0x0  }
0x12: {  	s1 =	sld [smem:$0x3F96];
	s0 =	simm.s32 @p0 $0x1  }
0x13: {  	[smem:$0x3FB1] =	sst s0;
	s0 =	simm.s32 @!p1 $0x0  }
0x14: {  	s2 =	sld [smem:$0x3F95];
	s0 =	simm.s32 @p1 $0x1  }
0x15: {  	[smem:$0x3FB2] =	sst s0;
	s0 =	simm.s32 @!p2 $0x0  }
0x16: {  	s3 =	sld [smem:$0x3FDB];
	s0 =	simm.s32 @p2 $0x1  }
0x17: {  	s4 =	simm.s32 $0x1BF5;
	[smem:$0x3FB4] =	sst s0  }
0x18: {  	s0 =	sld [smem:$0x3F97];
	_ =	swait.ge [sflag:s4], $0x0  }
0x19: {  	s7 =	sld [smem:$0x3F98]  }
0x1a: {  	s8 =	sadd.s32 $0xFFFFE003, lr  }
0x1b: {  	s9 =	sadd.s32 $0xFFFFFEF7, lr;
	s5 =	simm.s32 $0xFFFFFFFF;
	p2 =	slt.u32 s8, $0xFFFFF086  }
0x1c: {  	p1 =	slt.u32 s9, $0xF7A;
	s5 =	simm.s32 @!p2 $0x0  }
0x1d: {  	s5 =	simm.s32 @p1 $0x1;
	p0 =	seq.s32 s7, s2  }
0x1e: {  	s7 =	smul.u32 @!p0 $0xF7A, s2;
	p2 =	seq.s32 @!p0 s5, $0x0  }
0x1f: {  	s9 =	smul.u32 $0xF7A, s1;
	s8 =	simm.s32 @!p0 $0x1BF5;
	p2 =	por !p2, p0  }
0x20: {  	[sflag:s8] =	ssyncset.s32 @!p0 $0xFFFFF086;
	s6 =	sadd.s32 @!p0 s3, s7;
	s7 =	simm.s32 @!p0 $0x108  }
0x21: {  	s3 =	sadd.s32 s3, s9;
	s6 =	sadd.s32 @!p0 $0x88, s6;
	s7 =	simm.s32 @p2 $0x1082  }
0x22: {  	[simem:s7], [sflag:s8] =	dma.local @!p0 [hbm:s6], $0xF7A  }
0x23: {  	s9 =	sor.u32 $0xD0000000, s2;
	s6 =	simm.s32 $0x108;
	_ =	swait.ge @!p0 [sflag:s8], $0x0  }
0x24: {  	s3 =	sadd.s32 $0x88, s3;
	s6 =	simm.s32 @!p1 $0x1082;
	[sflag:s4] =	ssyncset.s32 $0xFFFFF086  }
0x25: {  	[simem:s6], [sflag:s4] =	dma.local [hbm:s3], $0xF7A  }
0x26: {  	[smem:$0x3F98] =	sst s1;
	(tag) =	ssettag s2;
	_ =	strace s9  }
0x27: {  	s1 =	sld [smem:$0x3FA8]  }
0x28: {  	s2 =	sld [smem:$0x3FA9]  }
0x29: {  	s4 =	sld [smem:$0x3FAB]  }
0x2a: {  	p0 =	seq.s32 s5, $0x0;
	s5 =	sld [smem:$0x3FAC]  }
0x2b: {  	s6 =	sld [smem:$0x3FAD]  }
0x2c: {  	s7 =	sld [smem:$0x3FAE]  }
0x2d: {  	s3 =	simm.s32 $0x108;
	s8 =	sld [smem:$0x3FAF]  }
0x2e: {  	s3 =	simm.s32 @!p0 $0x1082;
	s9 =	sld [smem:$0x3FB0]  }
0x2f: {  	lr =	sadd.s32 s0, s3;
	s0 =	sld [smem:$0x3FA7]  }
0x30: {  	s3 =	sld [smem:$0x3FAA]  }
0x31: {  	[smem:$0x3FB3] =	sst s10  }
0x32: {  	s10 =	sld [smem:$0x3FB1];
	_ =	sdelay $0x3  }
0x33: {  	p0 =	seq.s32 s10, $0x1;
	s10 =	sld [smem:$0x3FB3];
	_ =	sdelay $0x3  }
0x34: {  	[smem:$0x3FB3] =	sst s10  }
0x35: {  	s10 =	sld [smem:$0x3FB2];
	_ =	sdelay $0x3  }
0x36: {  	p1 =	seq.s32 s10, $0x1;
	s10 =	sld [smem:$0x3FB3];
	_ =	sdelay $0x3  }
0x37: {  	[smem:$0x3FB3] =	sst s10  }
0x38: {  	s10 =	sld [smem:$0x3FB4]  }
0x39: {  	_ = 	snop;
	(pc) =	sbr.ind lr, $3  }
0x3a: {  	_ = 	snop  }
0x3b: {  	_ = 	snop  }
0x3c: {  	p2 =	seq.s32 s10, $0x1;
	s10 =	sld [smem:$0x3FB3]  }
0x3d: {  	_ =	shalt  }
0x3e: {  	_ =	shalt  }
0x3f: {  	_ =	shalt  }
0x40: {  	_ =	shalt  }
0x41: {  	_ =	shalt  }
0x42: {  	_ =	shalt  }
0x43: {  	_ =	shalt  }
0x44: {  	_ =	shalt  }
0x45: {  	_ =	shalt  }
0x46: {  	_ =	shalt  }
0x47: {  	_ =	shalt  }
0x48: {  	_ =	shalt  }
0x49: {  	_ =	shalt  }
0x4a: {  	_ =	shalt  }
0x4b: {  	_ =	shalt  }
0x4c: {  	_ =	shalt  }
0x4d: {  	_ =	shalt  }
0x4e: {  	_ =	shalt  }
0x4f: {  	_ =	shalt  }
0x50: {  	_ =	shalt  }
0x51: {  	_ =	shalt  }
0x52: {  	_ =	shalt  }
0x53: {  	_ =	shalt  }
0x54: {  	_ =	shalt  }
0x55: {  	_ =	shalt  }
0x56: {  	_ =	shalt  }
0x57: {  	_ =	shalt  }
0x58: {  	_ =	shalt  }
0x59: {  	_ =	shalt  }
0x5a: {  	_ =	shalt  }
0x5b: {  	_ =	shalt  }
0x5c: {  	_ =	shalt  }
0x5d: {  	_ =	shalt  }
0x5e: {  	_ =	shalt  }
0x5f: {  	_ =	shalt  }
0x60: {  	_ =	shalt  }
0x61: {  	_ =	shalt  }
0x62: {  	_ =	shalt  }
0x63: {  	_ =	shalt  }
0x64: {  	_ =	shalt  }
0x65: {  	_ =	shalt  }
0x66: {  	_ =	shalt  }
0x67: {  	_ =	shalt  }
0x68: {  	_ =	shalt  }
0x69: {  	_ =	shalt  }
0x6a: {  	_ =	shalt  }
0x6b: {  	_ =	shalt  }
0x6c: {  	_ =	shalt  }
0x6d: {  	_ =	shalt  }
0x6e: {  	_ =	shalt  }
0x6f: {  	_ =	shalt  }
0x70: {  	_ =	shalt  }
0x71: {  	_ =	shalt  }
0x72: {  	_ =	shalt  }
0x73: {  	_ =	shalt  }
0x74: {  	_ =	shalt  }
0x75: {  	_ =	shalt  }
0x76: {  	_ =	shalt  }
0x77: {  	_ =	shalt  }
0x78: {  	_ =	shalt  }
0x79: {  	_ =	shalt  }
0x7a: {  	_ =	shalt  }
0x7b: {  	_ =	shalt  }
0x7c: {  	_ =	shalt  }
0x7d: {  	_ =	shalt  }
0x7e: {  	_ =	shalt  }
0x7f: {  	_ =	shalt  }
0x80: {  	_ =	shalt  }
0x81: {  	_ =	shalt  }
0x82: {  	_ =	shalt  }
0x83: {  	_ =	shalt  }
0x84: {  	_ =	shalt  }
0x85: {  	_ =	shalt  }
0x86: {  	_ =	shalt  }
0x87: {  	_ =	shalt  }
.Lfunc_end0:
.L_simem_size_0:
called_computation_lowered:
.L_overlay_start_0:
0x88: {  	s2 =	sld [smem:$0x3FD9]  }
0x89: {  	s3 =	sld [smem:$0x3FFE];
	_ =	sdelay $0x1  }
0x8a: {  	s1 =	srdreg.scid  }
0x8b: {  	s0 =	sand.u32 $0x1, s1  }
0x8c: {  	s17 =	sshll.u32 s0, $0xA;
	s2 =	sadd.s32 s3, s2  }
0x8d: {  	s2 =	sadd.s32 s2, s17  }
0x8e: {  	[smem:$0x3FBF] =	sst s2  }
0x8f: {  	_ = 	snop  }
0x90: {  	s2 =	sld [smem:$0x3FC7];
	(tm) =	ssettm $0x1  }
0x91: {  	s18 =	sld [smem:$0x3FFB];
	_ =	sdelay $0x3  }
0x92: {  	_ =	strace s18  }
0x93: {  	s3 =	sld [smem:$0x3FFC];
	_ =	sdelay $0x3  }
0x94: {  	_ =	strace s3  }
0x95: {  	s3 =	sld [smem:$0x3FFD];
	_ =	sdelay $0x3  }
0x96: {  	_ =	strace s3  }
0x97: {  	_ =	strace $0x8FFFFFFF  }
0x98: {  	s19 =	sld [smem:$0x3FDB];
	_ =	sdelay $0x1  }
0x99: {  	s4 =	simm.s32 $_scs_section_size  }
0x9a: {  	s5 =	simm.s32 $_size__tile_overlayer_lowered;
	s6 =	simm.s32 $_tile_overlayer_lowered  }
0x9b: {  	s22 =	simm.s32 $0x1BFF;
	s21 =	sshll.u32 s6, $0x1;
	s3 =	sadd.s32 s4, s19  }
0x9c: {  	s7 =	simm.s32 $0x0;
	s20 =	sshll.u32 s5, $0x1;
	s5 =	sadd.s32 s21, s3  }
0x9d: {  	[timem:s7], [sflag:s22] =	dma.local [hbm:s5], s20  }
0x9e: {  	_ =	swait.ge [sflag:s22], s20  }
0x9f: {  	s4 =	ssub.s32 $0x0, s20;
	[sflag:s22] =	ssyncset.done $0x0  }
0xa0: {  	[sflag:s22] =	ssyncadd.s32 s4;
	_ =	sdelay $0x1  }
0xa1: {  	s23 =	simm.s32 $0x1B8B  }
0xa2: {  	_ =	swait.ge [sflag:s23], $0x1  }
0xa3: {  	[sflag:s23] =	ssyncset.done $0x0  }
0xa4: {  	s25 =	simm.s32 $0x1B8E;
	s24 =	sld [smem:$0x3FFE];
	[sflag:s23] =	ssyncadd.s32 $0xFFFFFFFF  }
0xa5: {  	s26 =	simm.s32 $execute0_lowered;
	[smem:$0x3FD2] =	sst s25  }
0xa6: {  	s5 =	sshll.u32 s26, $0x1;
	_ =	strace $0x80000046;
	[dreg:$0x1] =	wrdreg $0xFFFFFFFF  }
0xa7: {  	s28 =	simm.s32 $_size_execute0_lowered;
	s3 =	sadd.s32 s3, s5;
	[dreg:$0x0] =	wrdreg $0x0  }
0xa8: {  	s5 =	sshll.u32 s28, $0x1;
	[dreg:$0x2] =	wrdreg s3  }
0xa9: {  	[dreg:$0x3] =	wrdreg s5  }
0xaa: {  	[dreg:$0x4] =	wrdreg $0xC0  }
0xab: {  	_ =	task [dreg:s7], $0x5FFFF  }
0xac: {  	[dreg:$0x1] =	wrdreg $0xFFFFFFFF  }
0xad: {  	[dreg:$0x0] =	wrdreg $0x60  }
0xae: {  	[dreg:$0x2] =	wrdreg s2  }
0xaf: {  	[dreg:$0x3] =	wrdreg s24  }
0xb0: {  	[dreg:$0x4] =	wrdreg $0x9  }
0xb1: {  	_ =	task.clear_ibuf [dreg:s7], $0x5FFFF;
	_ =	strace $0x90000046  }
0xb2: {  	s29 =	simm.s32 $0x9;
	_ =	strace $0x80000048  }
0xb3: {  	_ =	swait.ge [sflag:s29], $0x1  }
0xb4: {  	[sflag:s29] =	ssyncadd.s32 $0xFFFFFFFF  }
0xb5: {  	_ =	strace $0x90000048  }
0xb6: {  	_ =	sfence  }
0xb7: {  	s30 =	sld [smem:$0x0];
	_ =	sdelay $0x2  }
0xb8: {  	s31 =	sshll.u32 s1, $0xD;
	s1 =	sshrl.u32 s1, $0x2  }
0xb9: {  	s3 =	sand.u32 $0x4000, s31;
	s1 =	sadd.s32 s1, s30  }
0xba: {  	s0 =	sor.u32 s3, s0;
	s1 =	sshll.u32 s1, $0x11  }
0xbb: {  	s0 =	sor.u32 s1, s0  }
0xbc: {  	s0 =	sadd.s32 $0x8F2B, s0  }
0xbd: {  	[sflag:s0] =	ssyncadd.remote.s32 $0x1  }
0xbe: {  	_ =	sfence.sel $0xFFFF  }
0xbf: {  	[dreg:$0x0] =	wrdreg $0xFFFFFFFF;
	(pc) =	sbr.abs _section_cstart, $3  }
0xc0: {  	[dreg:$0x1] =	wrdreg $0xFFFFFFFF  }
0xc1: {  	_ =	task.clear_ibuf [dreg:s7], $0x2FFFF;
	_ =	strace $0x9FFFFFFF  }
0xc2: {  	(tm) =	ssettm $0x7FFFFFFF  }
0xc3: {  	_ =	shalt  }
tec
execute0_lowered:
.L_overlay_start_1:
0x0: {  	(tag) =	ssettag $0x1  }
0x1: {  	s1 =	srdreg.scid;
	s2 =	rddreg [dreg:$0x0]  }
0x2: {  	s0 =	stileid.u32;
	s6 =	rddreg [dreg:$0x1];
	s3 =	simm.s32 $0x0  }
0x3: {  	s12 =	simm.s32 $0x5000;
	s5 =	sand.u32 $0x1, s1;
	s28 =	sshll.u32 s0, $0x1  }
0x4: {  	s13 =	simm.s32 $0x1;
	s14 =	simm.s32 $0xA000;
	s1 =	sor.u32 s5, s28  }
0x5: {  	s15 =	simm.s32 $0x2;
	s16 =	simm.s32 $0xA800;
	s4 =	smul.u32 $0x620, s1  }
0x6: {  	s17 =	simm.s32 $0x3;
	s18 =	simm.s32 $0x4;
	s19 =	simm.s32 $0x0  }
0x7: {  	[smem:$0x7FF] =	sst s3;
	s5 =	ssub.s32 $0x2, s5;
	s10 =	smin.u32 s4, $0xBD30  }
0x8: {  	s1 =	rddreg [dreg:$0x2];
	s29 =	sshrl.u32 s5, $0x1;
	s7 =	smul.u32 $0x500, s10  }
.Ltmp0:
0x9: {  	_ =	strace $0x80000047;
	s11 =	ssub.s32 s5, s29;
	(pc) =	sbr.rel .LBB2_1-.Ltmp0, $4  }
0xa: {  	s4 =	sadd.s32 $0x1400, s6;
	s11 =	smax.u32 s11, $0x1;
	s8 =	smul.u32 $0xA0, s10  }
0xb: {  	s31 =	sshll.u32 s10, $0x4;
	s9 =	sadd.s32 $0x10, s10;
	s7 =	sshrl.u32 s7, $0x3  }
0xc: {  	s5 =	sadd.s32 s2, s8;
	s8 =	sadd.s32 $0x20, s10;
	s30 =	sadd.s32 s2, s7  }
0xd: {  	s10 =	sadd.s32 $0x30, s10;
	s7 =	sadd.s32 s4, s31;
	s6 =	sadd.s32 $0xA00, s30  }
.LBB2_8:
0xe: {  	s19 =	sadd.s32 $0x1, s19  }
0xf: {  	_ =	swait.ge [sflag:s17], $0x800;
	p0 =	sne.s32 s19, s11  }
.Ltmp1:
0x10: {  	[sflag:s17] =	ssyncset.done $0x0;
	(pc) =	sbr.rel @!p0 .LBB2_9-.Ltmp1, $4  }
0x11: {  	[sflag:s17] =	ssyncadd.s32 $0xFFFFF800  }
0x12: {  	_ =	swait.ge [sflag:s18], $0x800  }
0x13: {  	[sflag:s18] =	ssyncset.done $0x0  }
0x14: {  	[sflag:s18] =	ssyncadd.s32 $0xFFFFF800  }
.LBB2_1:
0x15: {  	[tilespmem:s3], [sflag:$0x1] =	stream.linear.gather [hbm4b:s5+s3], $0x5000, $0x38;
	[tilespmem:$0xB000] =	vst v63  }
0x16: {  	s20 =	simm.s32 $0x0  }
0x17: {  	[tilespmem:s12], [sflag:$0x2] =	stream.linear.gather [hbm4b:s6+s3], $0x5000, $0x38;
	[tilespmem:$0xB000] =	vst v63  }
.LBB2_2:
0x18: {  	_ =	swait.ge [sflag:s13], $0x5000  }
0x19: {  	p0 =	seq.s32 s20, $0x0;
	[sflag:s13] =	ssyncset.done $0x0  }
0x1a: {  	s21 =	simm.s32 @!p0 $0x3;
	[sflag:s13] =	ssyncadd.s32 $0xFFFFB000  }
0x1b: {  	_ =	swait.ge @!p0 [sflag:s21], $0x800  }
0x1c: {  	[sflag:s21] =	ssyncset.done @!p0 $0x0  }
0x1d: {  	s22 =	simm.s32 $0x280;
	[sflag:s21] =	ssyncadd.s32 @!p0 $0xFFFFF800  }
0x1e: {  	v0 =	vld [tilespmem:s22+$0xFFFFFE00]  }
0x1f: {  	v1 =	vld [tilespmem:s22+$0xFFFFFD80];
	_ =	sdelay $0x1  }
0x20: {  	v2 =	vld [tilespmem:s22+$0xFFFFFE80];
	_ =	sdelay $0x1  }
0x21: {  	v3 =	vld [tilespmem:s22+$0xFFFFFF00]  }
0x22: {  	v0 =	vadd.f32 v0, v1  }
0x23: {  	v1 =	vld [tilespmem:s22+$0xFFFFFF80]  }
0x24: {  	v0 =	vadd.f32 v2, v0  }
0x25: {  	v2 =	vld [tilespmem:s22+$0x0]  }
0x26: {  	v0 =	vadd.f32 v3, v0  }
0x27: {  	v3 =	vld [tilespmem:s22+$0x80]  }
0x28: {  	v0 =	vadd.f32 v1, v0  }
0x29: {  	v1 =	vld [tilespmem:s22+$0x100]  }
0x2a: {  	v0 =	vadd.f32 v2, v0  }
0x2b: {  	v2 =	vld [tilespmem:s22+$0x180]  }
0x2c: {  	v0 =	vadd.f32 v3, v0  }
0x2d: {  	v3 =	vld [tilespmem:s22+$0x200]  }
0x2e: {  	v0 =	vadd.f32 v1, v0;
	_ =	sdelay $0x1  }
0x2f: {  	v0 =	vadd.f32 v2, v0;
	_ =	sdelay $0x1  }
0x30: {  	v0 =	vadd.f32 v3, v0;
	_ =	sdelay $0x1  }
0x31: {  	v0 =	vmul.f32 $1.000000010e-01, v0  }
0x32: {  	s23 =	simm.s32 $0x0  }
0x33: {  	[tilespmem:s23+$0xA000] =	vst v0  }
0x34: {  	v0 =	vld [tilespmem:s22+$0xFFFFFD90]  }
0x35: {  	v1 =	vld [tilespmem:s22+$0xFFFFFE10];
	_ =	sdelay $0x1  }
0x36: {  	v2 =	vld [tilespmem:s22+$0xFFFFFE90];
	_ =	sdelay $0x1  }
0x37: {  	v3 =	vld [tilespmem:s22+$0xFFFFFF10]  }
0x38: {  	v0 =	vadd.f32 v1, v0  }
0x39: {  	v1 =	vld [tilespmem:s22+$0xFFFFFF90]  }
0x3a: {  	v0 =	vadd.f32 v2, v0  }
0x3b: {  	v2 =	vld [tilespmem:s22+$0x10]  }
0x3c: {  	v0 =	vadd.f32 v3, v0  }
0x3d: {  	v3 =	vld [tilespmem:s22+$0x90]  }
0x3e: {  	v0 =	vadd.f32 v1, v0  }
0x3f: {  	v1 =	vld [tilespmem:s22+$0x110]  }
0x40: {  	v0 =	vadd.f32 v2, v0  }
0x41: {  	v2 =	vld [tilespmem:s22+$0x190]  }
0x42: {  	v0 =	vadd.f32 v3, v0  }
0x43: {  	v3 =	vld [tilespmem:s22+$0x210]  }
0x44: {  	v0 =	vadd.f32 v1, v0;
	_ =	sdelay $0x1  }
0x45: {  	v0 =	vadd.f32 v2, v0;
	_ =	sdelay $0x1  }
0x46: {  	v0 =	vadd.f32 v3, v0;
	_ =	sdelay $0x1  }
0x47: {  	v0 =	vmul.f32 $1.000000010e-01, v0;
	_ =	sdelay $0x1  }
0x48: {  	[tilespmem:s23+$0xA010] =	vst v0  }
0x49: {  	v0 =	vld [tilespmem:s22+$0xFFFFFDA0]  }
0x4a: {  	v1 =	vld [tilespmem:s22+$0xFFFFFE20];
	_ =	sdelay $0x1  }
0x4b: {  	v2 =	vld [tilespmem:s22+$0xFFFFFEA0];
	_ =	sdelay $0x1  }
0x4c: {  	v3 =	vld [tilespmem:s22+$0xFFFFFF20]  }
0x4d: {  	v0 =	vadd.f32 v1, v0  }
0x4e: {  	v1 =	vld [tilespmem:s22+$0xFFFFFFA0]  }
0x4f: {  	v0 =	vadd.f32 v2, v0  }
0x50: {  	v2 =	vld [tilespmem:s22+$0x20]  }
0x51: {  	v0 =	vadd.f32 v3, v0  }
0x52: {  	v3 =	vld [tilespmem:s22+$0xA0]  }
0x53: {  	v0 =	vadd.f32 v1, v0  }
0x54: {  	v1 =	vld [tilespmem:s22+$0x120]  }
0x55: {  	v0 =	vadd.f32 v2, v0  }
0x56: {  	v2 =	vld [tilespmem:s22+$0x1A0]  }
0x57: {  	v0 =	vadd.f32 v3, v0  }
0x58: {  	v3 =	vld [tilespmem:s22+$0x220]  }
0x59: {  	v0 =	vadd.f32 v1, v0;
	_ =	sdelay $0x1  }
0x5a: {  	v0 =	vadd.f32 v2, v0;
	_ =	sdelay $0x1  }
0x5b: {  	v0 =	vadd.f32 v3, v0;
	_ =	sdelay $0x1  }
0x5c: {  	v0 =	vmul.f32 $1.000000010e-01, v0;
	_ =	sdelay $0x1  }
0x5d: {  	[tilespmem:s23+$0xA020] =	vst v0  }
0x5e: {  	v0 =	vld [tilespmem:s22+$0xFFFFFDB0]  }
0x5f: {  	v1 =	vld [tilespmem:s22+$0xFFFFFE30];
	_ =	sdelay $0x1  }
0x60: {  	v2 =	vld [tilespmem:s22+$0xFFFFFEB0];
	_ =	sdelay $0x1  }
0x61: {  	v3 =	vld [tilespmem:s22+$0xFFFFFF30]  }
0x62: {  	v0 =	vadd.f32 v1, v0  }
0x63: {  	v1 =	vld [tilespmem:s22+$0xFFFFFFB0]  }
0x64: {  	v0 =	vadd.f32 v2, v0  }
0x65: {  	v2 =	vld [tilespmem:s22+$0x30]  }
0x66: {  	v0 =	vadd.f32 v3, v0  }
0x67: {  	v3 =	vld [tilespmem:s22+$0xB0]  }
0x68: {  	v0 =	vadd.f32 v1, v0  }
0x69: {  	v1 =	vld [tilespmem:s22+$0x130]  }
0x6a: {  	v0 =	vadd.f32 v2, v0  }
0x6b: {  	v2 =	vld [tilespmem:s22+$0x1B0]  }
0x6c: {  	v0 =	vadd.f32 v3, v0  }
0x6d: {  	v3 =	vld [tilespmem:s22+$0x230]  }
0x6e: {  	v0 =	vadd.f32 v1, v0;
	_ =	sdelay $0x1  }
0x6f: {  	v0 =	vadd.f32 v2, v0;
	_ =	sdelay $0x1  }
0x70: {  	v0 =	vadd.f32 v3, v0;
	_ =	sdelay $0x1  }
0x71: {  	v0 =	vmul.f32 $1.000000010e-01, v0;
	_ =	sdelay $0x1  }
0x72: {  	[tilespmem:s23+$0xA030] =	vst v0  }
0x73: {  	v0 =	vld [tilespmem:s22+$0xFFFFFDC0]  }
0x74: {  	v1 =	vld [tilespmem:s22+$0xFFFFFE40];
	_ =	sdelay $0x1  }
0x75: {  	v2 =	vld [tilespmem:s22+$0xFFFFFEC0];
	_ =	sdelay $0x1  }
0x76: {  	v3 =	vld [tilespmem:s22+$0xFFFFFF40]  }
0x77: {  	v0 =	vadd.f32 v1, v0  }
0x78: {  	v1 =	vld [tilespmem:s22+$0xFFFFFFC0]  }
0x79: {  	v0 =	vadd.f32 v2, v0  }
0x7a: {  	v2 =	vld [tilespmem:s22+$0x40]  }
0x7b: {  	v0 =	vadd.f32 v3, v0  }
0x7c: {  	v3 =	vld [tilespmem:s22+$0xC0]  }
0x7d: {  	v0 =	vadd.f32 v1, v0  }
0x7e: {  	v1 =	vld [tilespmem:s22+$0x140]  }
0x7f: {  	v0 =	vadd.f32 v2, v0  }
0x80: {  	v2 =	vld [tilespmem:s22+$0x1C0]  }
0x81: {  	v0 =	vadd.f32 v3, v0  }
0x82: {  	v3 =	vld [tilespmem:s22+$0x240]  }
0x83: {  	v0 =	vadd.f32 v1, v0;
	_ =	sdelay $0x1  }
0x84: {  	v0 =	vadd.f32 v2, v0;
	_ =	sdelay $0x1  }
0x85: {  	v0 =	vadd.f32 v3, v0;
	_ =	sdelay $0x1  }
0x86: {  	v0 =	vmul.f32 $1.000000010e-01, v0;
	_ =	sdelay $0x1  }
0x87: {  	[tilespmem:s23+$0xA040] =	vst v0  }
0x88: {  	v0 =	vld [tilespmem:s22+$0xFFFFFDD0]  }
0x89: {  	v1 =	vld [tilespmem:s22+$0xFFFFFE50];
	_ =	sdelay $0x1  }
0x8a: {  	v2 =	vld [tilespmem:s22+$0xFFFFFED0];
	_ =	sdelay $0x1  }
0x8b: {  	v3 =	vld [tilespmem:s22+$0xFFFFFF50]  }
0x8c: {  	v0 =	vadd.f32 v1, v0  }
0x8d: {  	v1 =	vld [tilespmem:s22+$0xFFFFFFD0]  }
0x8e: {  	v0 =	vadd.f32 v2, v0  }
0x8f: {  	v2 =	vld [tilespmem:s22+$0x50]  }
0x90: {  	v0 =	vadd.f32 v3, v0  }
0x91: {  	v3 =	vld [tilespmem:s22+$0xD0]  }
0x92: {  	v0 =	vadd.f32 v1, v0  }
0x93: {  	v1 =	vld [tilespmem:s22+$0x150]  }
0x94: {  	v0 =	vadd.f32 v2, v0  }
0x95: {  	v2 =	vld [tilespmem:s22+$0x1D0]  }
0x96: {  	v0 =	vadd.f32 v3, v0  }
0x97: {  	v3 =	vld [tilespmem:s22+$0x250]  }
0x98: {  	v0 =	vadd.f32 v1, v0;
	_ =	sdelay $0x1  }
0x99: {  	v0 =	vadd.f32 v2, v0;
	_ =	sdelay $0x1  }
0x9a: {  	v0 =	vadd.f32 v3, v0;
	_ =	sdelay $0x1  }
0x9b: {  	v0 =	vmul.f32 $1.000000010e-01, v0;
	_ =	sdelay $0x1  }
0x9c: {  	[tilespmem:s23+$0xA050] =	vst v0  }
0x9d: {  	v0 =	vld [tilespmem:s22+$0xFFFFFDE0]  }
0x9e: {  	v1 =	vld [tilespmem:s22+$0xFFFFFE60];
	_ =	sdelay $0x1  }
0x9f: {  	v2 =	vld [tilespmem:s22+$0xFFFFFEE0];
	_ =	sdelay $0x1  }
0xa0: {  	v3 =	vld [tilespmem:s22+$0xFFFFFF60]  }
0xa1: {  	v0 =	vadd.f32 v1, v0  }
0xa2: {  	v1 =	vld [tilespmem:s22+$0xFFFFFFE0]  }
0xa3: {  	v0 =	vadd.f32 v2, v0  }
0xa4: {  	v2 =	vld [tilespmem:s22+$0x60]  }
0xa5: {  	v0 =	vadd.f32 v3, v0  }
0xa6: {  	v3 =	vld [tilespmem:s22+$0xE0]  }
0xa7: {  	v0 =	vadd.f32 v1, v0  }
0xa8: {  	v1 =	vld [tilespmem:s22+$0x160]  }
0xa9: {  	v0 =	vadd.f32 v2, v0  }
0xaa: {  	v2 =	vld [tilespmem:s22+$0x1E0]  }
0xab: {  	v0 =	vadd.f32 v3, v0  }
0xac: {  	v3 =	vld [tilespmem:s22+$0x260]  }
0xad: {  	v0 =	vadd.f32 v1, v0;
	_ =	sdelay $0x1  }
0xae: {  	v0 =	vadd.f32 v2, v0;
	_ =	sdelay $0x1  }
0xaf: {  	v0 =	vadd.f32 v3, v0;
	_ =	sdelay $0x1  }
0xb0: {  	v0 =	vmul.f32 $1.000000010e-01, v0;
	_ =	sdelay $0x1  }
0xb1: {  	[tilespmem:s23+$0xA060] =	vst v0  }
0xb2: {  	v0 =	vld [tilespmem:s22+$0xFFFFFDF0]  }
0xb3: {  	v1 =	vld [tilespmem:s22+$0xFFFFFE70];
	_ =	sdelay $0x1  }
0xb4: {  	v2 =	vld [tilespmem:s22+$0xFFFFFEF0];
	_ =	sdelay $0x1  }
0xb5: {  	v3 =	vld [tilespmem:s22+$0xFFFFFF70]  }
0xb6: {  	v0 =	vadd.f32 v1, v0  }
0xb7: {  	v1 =	vld [tilespmem:s22+$0xFFFFFFF0]  }
0xb8: {  	v0 =	vadd.f32 v2, v0  }
0xb9: {  	v4 =	vld [tilespmem:s22+$0x70]  }
0xba: {  	v0 =	vadd.f32 v3, v0  }
0xbb: {  	v3 =	vld [tilespmem:s22+$0xF0]  }
0xbc: {  	v0 =	vadd.f32 v1, v0  }
0xbd: {  	v2 =	vld [tilespmem:s22+$0x170]  }
0xbe: {  	v4 =	vadd.f32 v4, v0  }
0xbf: {  	v0 =	vld [tilespmem:s22+$0x1F0]  }
0xc0: {  	s24 =	simm.s32 $0x200;
	s21 =	sshll.u32 s20, $0x5;
	v1 =	vld [tilespmem:s22+$0x270];
	v3 =	vadd.f32 v3, v4  }
.LBB2_3:
0xc1: {  	p1 =	sne.s32 s24, $0x1E00  }
0xc2: {  	s22 =	sadd.s32 $0x500, s22;
	s25 =	smov.u32 s24;
	s24 =	sadd.s32 $0x200, s24;
	v2 =	vadd.f32 v2, v3  }
0xc3: {  	_ = 	snop  }
0xc4: {  	v0 =	vadd.f32 v0, v2;
	_ =	sdelay $0x1  }
0xc5: {  	v0 =	vadd.f32 v1, v0;
	_ =	sdelay $0x1  }
0xc6: {  	v0 =	vmul.f32 $1.000000010e-01, v0;
	_ =	sdelay $0x1  }
0xc7: {  	[tilespmem:s23+$0xA070] =	vst v0  }
0xc8: {  	v0 =	vld [tilespmem:s22+$0xFFFFFE00]  }
0xc9: {  	v1 =	vld [tilespmem:s22+$0xFFFFFD80]  }
0xca: {  	v2 =	vld [tilespmem:s22+$0xFFFFFE80];
	_ =	sdelay $0x2  }
0xcb: {  	v3 =	vld [tilespmem:s22+$0xFFFFFF00]  }
0xcc: {  	v0 =	vadd.f32 v0, v1  }
0xcd: {  	v1 =	vld [tilespmem:s22+$0xFFFFFF80]  }
0xce: {  	v0 =	vadd.f32 v2, v0  }
0xcf: {  	v2 =	vld [tilespmem:s22+$0x0]  }
0xd0: {  	v0 =	vadd.f32 v3, v0  }
0xd1: {  	v3 =	vld [tilespmem:s22+$0x80]  }
0xd2: {  	v0 =	vadd.f32 v1, v0  }
0xd3: {  	v1 =	vld [tilespmem:s22+$0x100]  }
0xd4: {  	v0 =	vadd.f32 v2, v0  }
0xd5: {  	v2 =	vld [tilespmem:s22+$0x180]  }
0xd6: {  	v0 =	vadd.f32 v3, v0  }
0xd7: {  	v3 =	vld [tilespmem:s22+$0x200]  }
0xd8: {  	v0 =	vadd.f32 v1, v0;
	_ =	sdelay $0x1  }
0xd9: {  	v0 =	vadd.f32 v2, v0;
	_ =	sdelay $0x1  }
0xda: {  	v0 =	vadd.f32 v3, v0;
	_ =	sdelay $0x1  }
0xdb: {  	v0 =	vmul.f32 $1.000000010e-01, v0  }
0xdc: {  	s23 =	sshra.s32 s25, $0x2  }
0xdd: {  	[tilespmem:s23+$0xA000] =	vst v0  }
0xde: {  	v0 =	vld [tilespmem:s22+$0xFFFFFD90]  }
0xdf: {  	v1 =	vld [tilespmem:s22+$0xFFFFFE10];
	_ =	sdelay $0x1  }
0xe0: {  	v2 =	vld [tilespmem:s22+$0xFFFFFE90];
	_ =	sdelay $0x1  }
0xe1: {  	v3 =	vld [tilespmem:s22+$0xFFFFFF10]  }
0xe2: {  	v0 =	vadd.f32 v1, v0  }
0xe3: {  	v1 =	vld [tilespmem:s22+$0xFFFFFF90]  }
0xe4: {  	v0 =	vadd.f32 v2, v0  }
0xe5: {  	v2 =	vld [tilespmem:s22+$0x10]  }
0xe6: {  	v0 =	vadd.f32 v3, v0  }
0xe7: {  	v3 =	vld [tilespmem:s22+$0x90]  }
0xe8: {  	v0 =	vadd.f32 v1, v0  }
0xe9: {  	v1 =	vld [tilespmem:s22+$0x110]  }
0xea: {  	v0 =	vadd.f32 v2, v0  }
0xeb: {  	v2 =	vld [tilespmem:s22+$0x190]  }
0xec: {  	v0 =	vadd.f32 v3, v0  }
0xed: {  	v3 =	vld [tilespmem:s22+$0x210]  }
0xee: {  	v0 =	vadd.f32 v1, v0;
	_ =	sdelay $0x1  }
0xef: {  	v0 =	vadd.f32 v2, v0;
	_ =	sdelay $0x1  }
0xf0: {  	v0 =	vadd.f32 v3, v0;
	_ =	sdelay $0x1  }
0xf1: {  	v0 =	vmul.f32 $1.000000010e-01, v0;
	_ =	sdelay $0x1  }
0xf2: {  	[tilespmem:s23+$0xA010] =	vst v0  }
0xf3: {  	v0 =	vld [tilespmem:s22+$0xFFFFFDA0]  }
0xf4: {  	v1 =	vld [tilespmem:s22+$0xFFFFFE20];
	_ =	sdelay $0x1  }
0xf5: {  	v2 =	vld [tilespmem:s22+$0xFFFFFEA0];
	_ =	sdelay $0x1  }
0xf6: {  	v3 =	vld [tilespmem:s22+$0xFFFFFF20]  }
0xf7: {  	v0 =	vadd.f32 v1, v0  }
0xf8: {  	v1 =	vld [tilespmem:s22+$0xFFFFFFA0]  }
0xf9: {  	v0 =	vadd.f32 v2, v0  }
0xfa: {  	v2 =	vld [tilespmem:s22+$0x20]  }
0xfb: {  	v0 =	vadd.f32 v3, v0  }
0xfc: {  	v3 =	vld [tilespmem:s22+$0xA0]  }
0xfd: {  	v0 =	vadd.f32 v1, v0  }
0xfe: {  	v1 =	vld [tilespmem:s22+$0x120]  }
0xff: {  	v0 =	vadd.f32 v2, v0  }
0x100: {  	v2 =	vld [tilespmem:s22+$0x1A0]  }
0x101: {  	v0 =	vadd.f32 v3, v0  }
0x102: {  	v3 =	vld [tilespmem:s22+$0x220]  }
0x103: {  	v0 =	vadd.f32 v1, v0;
	_ =	sdelay $0x1  }
0x104: {  	v0 =	vadd.f32 v2, v0;
	_ =	sdelay $0x1  }
0x105: {  	v0 =	vadd.f32 v3, v0;
	_ =	sdelay $0x1  }
0x106: {  	v0 =	vmul.f32 $1.000000010e-01, v0;
	_ =	sdelay $0x1  }
0x107: {  	[tilespmem:s23+$0xA020] =	vst v0  }
0x108: {  	v0 =	vld [tilespmem:s22+$0xFFFFFDB0]  }
0x109: {  	v1 =	vld [tilespmem:s22+$0xFFFFFE30];
	_ =	sdelay $0x1  }
0x10a: {  	v2 =	vld [tilespmem:s22+$0xFFFFFEB0];
	_ =	sdelay $0x1  }
0x10b: {  	v3 =	vld [tilespmem:s22+$0xFFFFFF30]  }
0x10c: {  	v0 =	vadd.f32 v1, v0  }
0x10d: {  	v1 =	vld [tilespmem:s22+$0xFFFFFFB0]  }
0x10e: {  	v0 =	vadd.f32 v2, v0  }
0x10f: {  	v2 =	vld [tilespmem:s22+$0x30]  }
0x110: {  	v0 =	vadd.f32 v3, v0  }
0x111: {  	v3 =	vld [tilespmem:s22+$0xB0]  }
0x112: {  	v0 =	vadd.f32 v1, v0  }
0x113: {  	v1 =	vld [tilespmem:s22+$0x130]  }
0x114: {  	v0 =	vadd.f32 v2, v0  }
0x115: {  	v2 =	vld [tilespmem:s22+$0x1B0]  }
0x116: {  	v0 =	vadd.f32 v3, v0  }
0x117: {  	v3 =	vld [tilespmem:s22+$0x230]  }
0x118: {  	v0 =	vadd.f32 v1, v0;
	_ =	sdelay $0x1  }
0x119: {  	v0 =	vadd.f32 v2, v0;
	_ =	sdelay $0x1  }
0x11a: {  	v0 =	vadd.f32 v3, v0;
	_ =	sdelay $0x1  }
0x11b: {  	v0 =	vmul.f32 $1.000000010e-01, v0;
	_ =	sdelay $0x1  }
0x11c: {  	[tilespmem:s23+$0xA030] =	vst v0  }
0x11d: {  	v0 =	vld [tilespmem:s22+$0xFFFFFDC0]  }
0x11e: {  	v1 =	vld [tilespmem:s22+$0xFFFFFE40];
	_ =	sdelay $0x1  }
0x11f: {  	v2 =	vld [tilespmem:s22+$0xFFFFFEC0];
	_ =	sdelay $0x1  }
0x120: {  	v3 =	vld [tilespmem:s22+$0xFFFFFF40]  }
0x121: {  	v0 =	vadd.f32 v1, v0  }
0x122: {  	v1 =	vld [tilespmem:s22+$0xFFFFFFC0]  }
0x123: {  	v0 =	vadd.f32 v2, v0  }
0x124: {  	v2 =	vld [tilespmem:s22+$0x40]  }
0x125: {  	v0 =	vadd.f32 v3, v0  }
0x126: {  	v3 =	vld [tilespmem:s22+$0xC0]  }
0x127: {  	v0 =	vadd.f32 v1, v0  }
0x128: {  	v1 =	vld [tilespmem:s22+$0x140]  }
0x129: {  	v0 =	vadd.f32 v2, v0  }
0x12a: {  	v2 =	vld [tilespmem:s22+$0x1C0]  }
0x12b: {  	v0 =	vadd.f32 v3, v0  }
0x12c: {  	v3 =	vld [tilespmem:s22+$0x240]  }
0x12d: {  	v0 =	vadd.f32 v1, v0;
	_ =	sdelay $0x1  }
0x12e: {  	v0 =	vadd.f32 v2, v0;
	_ =	sdelay $0x1  }
0x12f: {  	v0 =	vadd.f32 v3, v0;
	_ =	sdelay $0x1  }
0x130: {  	v0 =	vmul.f32 $1.000000010e-01, v0;
	_ =	sdelay $0x1  }
0x131: {  	[tilespmem:s23+$0xA040] =	vst v0  }
0x132: {  	v0 =	vld [tilespmem:s22+$0xFFFFFDD0]  }
0x133: {  	v1 =	vld [tilespmem:s22+$0xFFFFFE50]  }
0x134: {  	v2 =	vld [tilespmem:s22+$0xFFFFFED0]  }
0x135: {  	v3 =	vld [tilespmem:s22+$0xFFFFFF50]  }
0x136: {  	v4 =	vld [tilespmem:s22+$0xFFFFFFD0]  }
0x137: {  	v5 =	vld [tilespmem:s22+$0x50]  }
0x138: {  	v0 =	vadd.f32 v1, v0;
	v1 =	vld [tilespmem:s22+$0xD0]  }
0x139: {  	v6 =	vld [tilespmem:s22+$0x150]  }
0x13a: {  	v0 =	vadd.f32 v2, v0;
	v2 =	vld [tilespmem:s22+$0x1D0]  }
0x13b: {  	v7 =	vld [tilespmem:s22+$0x250]  }
0x13c: {  	v0 =	vadd.f32 v3, v0;
	_ =	sdelay $0x1  }
0x13d: {  	v0 =	vadd.f32 v4, v0;
	_ =	sdelay $0x1  }
0x13e: {  	v0 =	vadd.f32 v5, v0;
	_ =	sdelay $0x1  }
0x13f: {  	v0 =	vadd.f32 v1, v0;
	_ =	sdelay $0x1  }
0x140: {  	v0 =	vadd.f32 v6, v0;
	_ =	sdelay $0x1  }
0x141: {  	v0 =	vadd.f32 v2, v0;
	_ =	sdelay $0x1  }
0x142: {  	v0 =	vadd.f32 v7, v0;
	_ =	sdelay $0x1  }
0x143: {  	v0 =	vmul.f32 $1.000000010e-01, v0;
	_ =	sdelay $0x1  }
0x144: {  	[tilespmem:s23+$0xA050] =	vst v0  }
0x145: {  	v0 =	vld [tilespmem:s22+$0xFFFFFDE0]  }
0x146: {  	v1 =	vld [tilespmem:s22+$0xFFFFFE60]  }
0x147: {  	v2 =	vld [tilespmem:s22+$0xFFFFFEE0]  }
0x148: {  	v3 =	vld [tilespmem:s22+$0xFFFFFF60]  }
0x149: {  	v4 =	vld [tilespmem:s22+$0xFFFFFFE0]  }
0x14a: {  	v5 =	vld [tilespmem:s22+$0x60]  }
0x14b: {  	v0 =	vadd.f32 v1, v0;
	v1 =	vld [tilespmem:s22+$0xE0]  }
0x14c: {  	v6 =	vld [tilespmem:s22+$0x160]  }
0x14d: {  	v0 =	vadd.f32 v2, v0;
	v2 =	vld [tilespmem:s22+$0x1E0]  }
0x14e: {  	v7 =	vld [tilespmem:s22+$0x260]  }
0x14f: {  	v0 =	vadd.f32 v3, v0;
	_ =	sdelay $0x1  }
0x150: {  	v0 =	vadd.f32 v4, v0;
	_ =	sdelay $0x1  }
0x151: {  	v0 =	vadd.f32 v5, v0;
	_ =	sdelay $0x1  }
0x152: {  	v0 =	vadd.f32 v1, v0;
	_ =	sdelay $0x1  }
0x153: {  	v0 =	vadd.f32 v6, v0;
	_ =	sdelay $0x1  }
0x154: {  	v0 =	vadd.f32 v2, v0;
	_ =	sdelay $0x1  }
0x155: {  	v0 =	vadd.f32 v7, v0;
	_ =	sdelay $0x1  }
0x156: {  	v0 =	vmul.f32 $1.000000010e-01, v0;
	_ =	sdelay $0x1  }
0x157: {  	[tilespmem:s23+$0xA060] =	vst v0  }
0x158: {  	v0 =	vld [tilespmem:s22+$0xFFFFFDF0]  }
0x159: {  	v1 =	vld [tilespmem:s22+$0xFFFFFE70]  }
0x15a: {  	v3 =	vld [tilespmem:s22+$0xFFFFFEF0]  }
0x15b: {  	v4 =	vld [tilespmem:s22+$0xFFFFFF70]  }
0x15c: {  	v5 =	vld [tilespmem:s22+$0xFFFFFFF0]  }
0x15d: {  	v6 =	vld [tilespmem:s22+$0x70]  }
0x15e: {  	v0 =	vadd.f32 v1, v0;
	v7 =	vld [tilespmem:s22+$0xF0]  }
0x15f: {  	v2 =	vld [tilespmem:s22+$0x170]  }
0x160: {  	v3 =	vadd.f32 v3, v0;
	v0 =	vld [tilespmem:s22+$0x1F0]  }
0x161: {  	v1 =	vld [tilespmem:s22+$0x270]  }
0x162: {  	v3 =	vadd.f32 v4, v3;
	_ =	sdelay $0x1  }
.Ltmp2:
0x163: {  	v3 =	vadd.f32 v5, v3;
	(pc) =	sbr.rel @p1 .LBB2_3-.Ltmp2, $3  }
0x164: {  	_ = 	snop  }
0x165: {  	v3 =	vadd.f32 v6, v3;
	_ =	sdelay $0x1  }
0x166: {  	v3 =	vadd.f32 v7, v3  }
0x167: {  	_ = 	snop  }
0x168: {  	v2 =	vadd.f32 v2, v3;
	_ =	sdelay $0x1  }
0x169: {  	v0 =	vadd.f32 v0, v2;
	_ =	sdelay $0x1  }
0x16a: {  	v0 =	vadd.f32 v1, v0;
	_ =	sdelay $0x1  }
0x16b: {  	p1 =	seq.s32 s20, $0x30;
	v0 =	vmul.f32 $1.000000010e-01, v0  }
0x16c: {  	s22 =	sshll.u32 s20, $0x9;
	s24 =	sadd.s32 @!p1 s21, s8  }
0x16d: {  	s22 =	sadd.s32 s22, s7;
	[tilespmem:s23+$0xA070] =	vst v0;
	s23 =	smul.u32 @!p1 $0xA0, s24  }
0x16e: {  	[hbm4b:s22+s3] =	stream.linear.scatter [tilespmem:s14], [sflag:$0x3], $0x800, $0x38;
	[tilespmem:$0xB000] =	vst v63  }
0x16f: {  	s22 =	sadd.s32 @!p1 s2, s23;
	s23 =	simm.s32 @!p1 $0x0  }
0x170: {  	[tilespmem:s23], [sflag:$0x1] =	stream.linear.gather @!p1 [hbm4b:s22+s23], $0x5000, $0x38;
	[tilespmem:$0xB000] =	vst v63  }
0x171: {  	_ =	swait.ge [sflag:s15], $0x5000  }
0x172: {  	[sflag:s15] =	ssyncset.done $0x0  }
0x173: {  	s22 =	simm.s32 @!p0 $0x4;
	[sflag:s15] =	ssyncadd.s32 $0xFFFFB000  }
0x174: {  	_ =	swait.ge @!p0 [sflag:s22], $0x800  }
0x175: {  	[sflag:s22] =	ssyncset.done @!p0 $0x0  }
0x176: {  	[sflag:s22] =	ssyncadd.s32 @!p0 $0xFFFFF800;
	s22 =	simm.s32 $0x5280  }
0x177: {  	v0 =	vld [tilespmem:s22+$0xFFFFFE00]  }
0x178: {  	v1 =	vld [tilespmem:s22+$0xFFFFFD80];
	_ =	sdelay $0x1  }
0x179: {  	v2 =	vld [tilespmem:s22+$0xFFFFFE80];
	_ =	sdelay $0x1  }
0x17a: {  	v3 =	vld [tilespmem:s22+$0xFFFFFF00]  }
0x17b: {  	v0 =	vadd.f32 v0, v1  }
0x17c: {  	v1 =	vld [tilespmem:s22+$0xFFFFFF80]  }
0x17d: {  	v0 =	vadd.f32 v2, v0  }
0x17e: {  	v2 =	vld [tilespmem:s22+$0x0]  }
0x17f: {  	v0 =	vadd.f32 v3, v0  }
0x180: {  	v3 =	vld [tilespmem:s22+$0x80]  }
0x181: {  	v0 =	vadd.f32 v1, v0  }
0x182: {  	v1 =	vld [tilespmem:s22+$0x100]  }
0x183: {  	v0 =	vadd.f32 v2, v0  }
0x184: {  	v2 =	vld [tilespmem:s22+$0x180]  }
0x185: {  	v0 =	vadd.f32 v3, v0  }
0x186: {  	v3 =	vld [tilespmem:s22+$0x200]  }
0x187: {  	v0 =	vadd.f32 v1, v0;
	_ =	sdelay $0x1  }
0x188: {  	v0 =	vadd.f32 v2, v0;
	_ =	sdelay $0x1  }
0x189: {  	v0 =	vadd.f32 v3, v0;
	_ =	sdelay $0x1  }
0x18a: {  	v0 =	vmul.f32 $1.000000010e-01, v0  }
0x18b: {  	s23 =	simm.s32 $0x0  }
0x18c: {  	[tilespmem:s23+$0xA800] =	vst v0  }
0x18d: {  	v0 =	vld [tilespmem:s22+$0xFFFFFD90]  }
0x18e: {  	v1 =	vld [tilespmem:s22+$0xFFFFFE10];
	_ =	sdelay $0x1  }
0x18f: {  	v2 =	vld [tilespmem:s22+$0xFFFFFE90];
	_ =	sdelay $0x1  }
0x190: {  	v3 =	vld [tilespmem:s22+$0xFFFFFF10]  }
0x191: {  	v0 =	vadd.f32 v1, v0  }
0x192: {  	v1 =	vld [tilespmem:s22+$0xFFFFFF90]  }
0x193: {  	v0 =	vadd.f32 v2, v0  }
0x194: {  	v2 =	vld [tilespmem:s22+$0x10]  }
0x195: {  	v0 =	vadd.f32 v3, v0  }
0x196: {  	v3 =	vld [tilespmem:s22+$0x90]  }
0x197: {  	v0 =	vadd.f32 v1, v0  }
0x198: {  	v1 =	vld [tilespmem:s22+$0x110]  }
0x199: {  	v0 =	vadd.f32 v2, v0  }
0x19a: {  	v2 =	vld [tilespmem:s22+$0x190]  }
0x19b: {  	v0 =	vadd.f32 v3, v0  }
0x19c: {  	v3 =	vld [tilespmem:s22+$0x210]  }
0x19d: {  	v0 =	vadd.f32 v1, v0;
	_ =	sdelay $0x1  }
0x19e: {  	v0 =	vadd.f32 v2, v0;
	_ =	sdelay $0x1  }
0x19f: {  	v0 =	vadd.f32 v3, v0;
	_ =	sdelay $0x1  }
0x1a0: {  	v0 =	vmul.f32 $1.000000010e-01, v0;
	_ =	sdelay $0x1  }
0x1a1: {  	[tilespmem:s23+$0xA810] =	vst v0  }
0x1a2: {  	v0 =	vld [tilespmem:s22+$0xFFFFFDA0]  }
0x1a3: {  	v1 =	vld [tilespmem:s22+$0xFFFFFE20];
	_ =	sdelay $0x1  }
0x1a4: {  	v2 =	vld [tilespmem:s22+$0xFFFFFEA0];
	_ =	sdelay $0x1  }
0x1a5: {  	v3 =	vld [tilespmem:s22+$0xFFFFFF20]  }
0x1a6: {  	v0 =	vadd.f32 v1, v0  }
0x1a7: {  	v1 =	vld [tilespmem:s22+$0xFFFFFFA0]  }
0x1a8: {  	v0 =	vadd.f32 v2, v0  }
0x1a9: {  	v2 =	vld [tilespmem:s22+$0x20]  }
0x1aa: {  	v0 =	vadd.f32 v3, v0  }
0x1ab: {  	v3 =	vld [tilespmem:s22+$0xA0]  }
0x1ac: {  	v0 =	vadd.f32 v1, v0  }
0x1ad: {  	v1 =	vld [tilespmem:s22+$0x120]  }
0x1ae: {  	v0 =	vadd.f32 v2, v0  }
0x1af: {  	v2 =	vld [tilespmem:s22+$0x1A0]  }
0x1b0: {  	v0 =	vadd.f32 v3, v0  }
0x1b1: {  	v3 =	vld [tilespmem:s22+$0x220]  }
0x1b2: {  	v0 =	vadd.f32 v1, v0;
	_ =	sdelay $0x1  }
0x1b3: {  	v0 =	vadd.f32 v2, v0;
	_ =	sdelay $0x1  }
0x1b4: {  	v0 =	vadd.f32 v3, v0;
	_ =	sdelay $0x1  }
0x1b5: {  	v0 =	vmul.f32 $1.000000010e-01, v0;
	_ =	sdelay $0x1  }
0x1b6: {  	[tilespmem:s23+$0xA820] =	vst v0  }
0x1b7: {  	v0 =	vld [tilespmem:s22+$0xFFFFFDB0]  }
0x1b8: {  	v1 =	vld [tilespmem:s22+$0xFFFFFE30];
	_ =	sdelay $0x1  }
0x1b9: {  	v2 =	vld [tilespmem:s22+$0xFFFFFEB0];
	_ =	sdelay $0x1  }
0x1ba: {  	v3 =	vld [tilespmem:s22+$0xFFFFFF30]  }
0x1bb: {  	v0 =	vadd.f32 v1, v0  }
0x1bc: {  	v1 =	vld [tilespmem:s22+$0xFFFFFFB0]  }
0x1bd: {  	v0 =	vadd.f32 v2, v0  }
0x1be: {  	v2 =	vld [tilespmem:s22+$0x30]  }
0x1bf: {  	v0 =	vadd.f32 v3, v0  }
0x1c0: {  	v3 =	vld [tilespmem:s22+$0xB0]  }
0x1c1: {  	v0 =	vadd.f32 v1, v0  }
0x1c2: {  	v1 =	vld [tilespmem:s22+$0x130]  }
0x1c3: {  	v0 =	vadd.f32 v2, v0  }
0x1c4: {  	v2 =	vld [tilespmem:s22+$0x1B0]  }
0x1c5: {  	v0 =	vadd.f32 v3, v0  }
0x1c6: {  	v3 =	vld [tilespmem:s22+$0x230]  }
0x1c7: {  	v0 =	vadd.f32 v1, v0;
	_ =	sdelay $0x1  }
0x1c8: {  	v0 =	vadd.f32 v2, v0;
	_ =	sdelay $0x1  }
0x1c9: {  	v0 =	vadd.f32 v3, v0;
	_ =	sdelay $0x1  }
0x1ca: {  	v0 =	vmul.f32 $1.000000010e-01, v0;
	_ =	sdelay $0x1  }
0x1cb: {  	[tilespmem:s23+$0xA830] =	vst v0  }
0x1cc: {  	v0 =	vld [tilespmem:s22+$0xFFFFFDC0]  }
0x1cd: {  	v1 =	vld [tilespmem:s22+$0xFFFFFE40];
	_ =	sdelay $0x1  }
0x1ce: {  	v2 =	vld [tilespmem:s22+$0xFFFFFEC0];
	_ =	sdelay $0x1  }
0x1cf: {  	v3 =	vld [tilespmem:s22+$0xFFFFFF40]  }
0x1d0: {  	v0 =	vadd.f32 v1, v0  }
0x1d1: {  	v1 =	vld [tilespmem:s22+$0xFFFFFFC0]  }
0x1d2: {  	v0 =	vadd.f32 v2, v0  }
0x1d3: {  	v2 =	vld [tilespmem:s22+$0x40]  }
0x1d4: {  	v0 =	vadd.f32 v3, v0  }
0x1d5: {  	v3 =	vld [tilespmem:s22+$0xC0]  }
0x1d6: {  	v0 =	vadd.f32 v1, v0  }
0x1d7: {  	v1 =	vld [tilespmem:s22+$0x140]  }
0x1d8: {  	v0 =	vadd.f32 v2, v0  }
0x1d9: {  	v2 =	vld [tilespmem:s22+$0x1C0]  }
0x1da: {  	v0 =	vadd.f32 v3, v0  }
0x1db: {  	v3 =	vld [tilespmem:s22+$0x240]  }
0x1dc: {  	v0 =	vadd.f32 v1, v0;
	_ =	sdelay $0x1  }
0x1dd: {  	v0 =	vadd.f32 v2, v0;
	_ =	sdelay $0x1  }
0x1de: {  	v0 =	vadd.f32 v3, v0;
	_ =	sdelay $0x1  }
0x1df: {  	v0 =	vmul.f32 $1.000000010e-01, v0;
	_ =	sdelay $0x1  }
0x1e0: {  	[tilespmem:s23+$0xA840] =	vst v0  }
0x1e1: {  	v0 =	vld [tilespmem:s22+$0xFFFFFDD0]  }
0x1e2: {  	v1 =	vld [tilespmem:s22+$0xFFFFFE50];
	_ =	sdelay $0x1  }
0x1e3: {  	v2 =	vld [tilespmem:s22+$0xFFFFFED0];
	_ =	sdelay $0x1  }
0x1e4: {  	v3 =	vld [tilespmem:s22+$0xFFFFFF50]  }
0x1e5: {  	v0 =	vadd.f32 v1, v0  }
0x1e6: {  	v1 =	vld [tilespmem:s22+$0xFFFFFFD0]  }
0x1e7: {  	v0 =	vadd.f32 v2, v0  }
0x1e8: {  	v2 =	vld [tilespmem:s22+$0x50]  }
0x1e9: {  	v0 =	vadd.f32 v3, v0  }
0x1ea: {  	v3 =	vld [tilespmem:s22+$0xD0]  }
0x1eb: {  	v0 =	vadd.f32 v1, v0  }
0x1ec: {  	v1 =	vld [tilespmem:s22+$0x150]  }
0x1ed: {  	v0 =	vadd.f32 v2, v0  }
0x1ee: {  	v2 =	vld [tilespmem:s22+$0x1D0]  }
0x1ef: {  	v0 =	vadd.f32 v3, v0  }
0x1f0: {  	v3 =	vld [tilespmem:s22+$0x250]  }
0x1f1: {  	v0 =	vadd.f32 v1, v0;
	_ =	sdelay $0x1  }
0x1f2: {  	v0 =	vadd.f32 v2, v0;
	_ =	sdelay $0x1  }
0x1f3: {  	v0 =	vadd.f32 v3, v0;
	_ =	sdelay $0x1  }
0x1f4: {  	v0 =	vmul.f32 $1.000000010e-01, v0;
	_ =	sdelay $0x1  }
0x1f5: {  	[tilespmem:s23+$0xA850] =	vst v0  }
0x1f6: {  	v0 =	vld [tilespmem:s22+$0xFFFFFDE0]  }
0x1f7: {  	v1 =	vld [tilespmem:s22+$0xFFFFFE60];
	_ =	sdelay $0x1  }
0x1f8: {  	v2 =	vld [tilespmem:s22+$0xFFFFFEE0];
	_ =	sdelay $0x1  }
0x1f9: {  	v3 =	vld [tilespmem:s22+$0xFFFFFF60]  }
0x1fa: {  	v0 =	vadd.f32 v1, v0  }
0x1fb: {  	v1 =	vld [tilespmem:s22+$0xFFFFFFE0]  }
0x1fc: {  	v0 =	vadd.f32 v2, v0  }
0x1fd: {  	v2 =	vld [tilespmem:s22+$0x60]  }
0x1fe: {  	v0 =	vadd.f32 v3, v0  }
0x1ff: {  	v3 =	vld [tilespmem:s22+$0xE0]  }
0x200: {  	v0 =	vadd.f32 v1, v0  }
0x201: {  	v1 =	vld [tilespmem:s22+$0x160]  }
0x202: {  	v0 =	vadd.f32 v2, v0  }
0x203: {  	v2 =	vld [tilespmem:s22+$0x1E0]  }
0x204: {  	v0 =	vadd.f32 v3, v0  }
0x205: {  	v3 =	vld [tilespmem:s22+$0x260]  }
0x206: {  	v0 =	vadd.f32 v1, v0;
	_ =	sdelay $0x1  }
0x207: {  	v0 =	vadd.f32 v2, v0;
	_ =	sdelay $0x1  }
0x208: {  	v0 =	vadd.f32 v3, v0;
	_ =	sdelay $0x1  }
0x209: {  	v0 =	vmul.f32 $1.000000010e-01, v0;
	_ =	sdelay $0x1  }
0x20a: {  	[tilespmem:s23+$0xA860] =	vst v0  }
0x20b: {  	v0 =	vld [tilespmem:s22+$0xFFFFFDF0]  }
0x20c: {  	v1 =	vld [tilespmem:s22+$0xFFFFFE70];
	_ =	sdelay $0x1  }
0x20d: {  	v2 =	vld [tilespmem:s22+$0xFFFFFEF0];
	_ =	sdelay $0x1  }
0x20e: {  	v3 =	vld [tilespmem:s22+$0xFFFFFF70]  }
0x20f: {  	v0 =	vadd.f32 v1, v0  }
0x210: {  	v1 =	vld [tilespmem:s22+$0xFFFFFFF0]  }
0x211: {  	v0 =	vadd.f32 v2, v0  }
0x212: {  	v4 =	vld [tilespmem:s22+$0x70]  }
0x213: {  	v0 =	vadd.f32 v3, v0  }
0x214: {  	v3 =	vld [tilespmem:s22+$0xF0]  }
0x215: {  	v0 =	vadd.f32 v1, v0  }
0x216: {  	v2 =	vld [tilespmem:s22+$0x170]  }
0x217: {  	v4 =	vadd.f32 v4, v0  }
0x218: {  	v0 =	vld [tilespmem:s22+$0x1F0]  }
0x219: {  	s25 =	simm.s32 $0x200;
	s24 =	sadd.s32 s21, s9;
	v1 =	vld [tilespmem:s22+$0x270];
	v3 =	vadd.f32 v3, v4  }
.LBB2_5:
0x21a: {  	p0 =	sne.s32 s25, $0x1E00  }
0x21b: {  	s22 =	sadd.s32 $0x500, s22;
	s26 =	smov.u32 s25;
	s25 =	sadd.s32 $0x200, s25;
	v2 =	vadd.f32 v2, v3  }
0x21c: {  	_ = 	snop  }
0x21d: {  	v0 =	vadd.f32 v0, v2;
	_ =	sdelay $0x1  }
0x21e: {  	v0 =	vadd.f32 v1, v0;
	_ =	sdelay $0x1  }
0x21f: {  	v0 =	vmul.f32 $1.000000010e-01, v0;
	_ =	sdelay $0x1  }
0x220: {  	[tilespmem:s23+$0xA870] =	vst v0  }
0x221: {  	v0 =	vld [tilespmem:s22+$0xFFFFFE00]  }
0x222: {  	v1 =	vld [tilespmem:s22+$0xFFFFFD80]  }
0x223: {  	v2 =	vld [tilespmem:s22+$0xFFFFFE80];
	_ =	sdelay $0x2  }
0x224: {  	v3 =	vld [tilespmem:s22+$0xFFFFFF00]  }
0x225: {  	v0 =	vadd.f32 v0, v1  }
0x226: {  	v1 =	vld [tilespmem:s22+$0xFFFFFF80]  }
0x227: {  	v0 =	vadd.f32 v2, v0  }
0x228: {  	v2 =	vld [tilespmem:s22+$0x0]  }
0x229: {  	v0 =	vadd.f32 v3, v0  }
0x22a: {  	v3 =	vld [tilespmem:s22+$0x80]  }
0x22b: {  	v0 =	vadd.f32 v1, v0  }
0x22c: {  	v1 =	vld [tilespmem:s22+$0x100]  }
0x22d: {  	v0 =	vadd.f32 v2, v0  }
0x22e: {  	v2 =	vld [tilespmem:s22+$0x180]  }
0x22f: {  	v0 =	vadd.f32 v3, v0  }
0x230: {  	v3 =	vld [tilespmem:s22+$0x200]  }
0x231: {  	v0 =	vadd.f32 v1, v0;
	_ =	sdelay $0x1  }
0x232: {  	v0 =	vadd.f32 v2, v0;
	_ =	sdelay $0x1  }
0x233: {  	v0 =	vadd.f32 v3, v0;
	_ =	sdelay $0x1  }
0x234: {  	v0 =	vmul.f32 $1.000000010e-01, v0  }
0x235: {  	s23 =	sshra.s32 s26, $0x2  }
0x236: {  	[tilespmem:s23+$0xA800] =	vst v0  }
0x237: {  	v0 =	vld [tilespmem:s22+$0xFFFFFD90]  }
0x238: {  	v1 =	vld [tilespmem:s22+$0xFFFFFE10];
	_ =	sdelay $0x1  }
0x239: {  	v2 =	vld [tilespmem:s22+$0xFFFFFE90];
	_ =	sdelay $0x1  }
0x23a: {  	v3 =	vld [tilespmem:s22+$0xFFFFFF10]  }
0x23b: {  	v0 =	vadd.f32 v1, v0  }
0x23c: {  	v1 =	vld [tilespmem:s22+$0xFFFFFF90]  }
0x23d: {  	v0 =	vadd.f32 v2, v0  }
0x23e: {  	v2 =	vld [tilespmem:s22+$0x10]  }
0x23f: {  	v0 =	vadd.f32 v3, v0  }
0x240: {  	v3 =	vld [tilespmem:s22+$0x90]  }
0x241: {  	v0 =	vadd.f32 v1, v0  }
0x242: {  	v1 =	vld [tilespmem:s22+$0x110]  }
0x243: {  	v0 =	vadd.f32 v2, v0  }
0x244: {  	v2 =	vld [tilespmem:s22+$0x190]  }
0x245: {  	v0 =	vadd.f32 v3, v0  }
0x246: {  	v3 =	vld [tilespmem:s22+$0x210]  }
0x247: {  	v0 =	vadd.f32 v1, v0;
	_ =	sdelay $0x1  }
0x248: {  	v0 =	vadd.f32 v2, v0;
	_ =	sdelay $0x1  }
0x249: {  	v0 =	vadd.f32 v3, v0;
	_ =	sdelay $0x1  }
0x24a: {  	v0 =	vmul.f32 $1.000000010e-01, v0;
	_ =	sdelay $0x1  }
0x24b: {  	[tilespmem:s23+$0xA810] =	vst v0  }
0x24c: {  	v0 =	vld [tilespmem:s22+$0xFFFFFDA0]  }
0x24d: {  	v1 =	vld [tilespmem:s22+$0xFFFFFE20];
	_ =	sdelay $0x1  }
0x24e: {  	v2 =	vld [tilespmem:s22+$0xFFFFFEA0];
	_ =	sdelay $0x1  }
0x24f: {  	v3 =	vld [tilespmem:s22+$0xFFFFFF20]  }
0x250: {  	v0 =	vadd.f32 v1, v0  }
0x251: {  	v1 =	vld [tilespmem:s22+$0xFFFFFFA0]  }
0x252: {  	v0 =	vadd.f32 v2, v0  }
0x253: {  	v2 =	vld [tilespmem:s22+$0x20]  }
0x254: {  	v0 =	vadd.f32 v3, v0  }
0x255: {  	v3 =	vld [tilespmem:s22+$0xA0]  }
0x256: {  	v0 =	vadd.f32 v1, v0  }
0x257: {  	v1 =	vld [tilespmem:s22+$0x120]  }
0x258: {  	v0 =	vadd.f32 v2, v0  }
0x259: {  	v2 =	vld [tilespmem:s22+$0x1A0]  }
0x25a: {  	v0 =	vadd.f32 v3, v0  }
0x25b: {  	v3 =	vld [tilespmem:s22+$0x220]  }
0x25c: {  	v0 =	vadd.f32 v1, v0;
	_ =	sdelay $0x1  }
0x25d: {  	v0 =	vadd.f32 v2, v0;
	_ =	sdelay $0x1  }
0x25e: {  	v0 =	vadd.f32 v3, v0;
	_ =	sdelay $0x1  }
0x25f: {  	v0 =	vmul.f32 $1.000000010e-01, v0;
	_ =	sdelay $0x1  }
0x260: {  	[tilespmem:s23+$0xA820] =	vst v0  }
0x261: {  	v0 =	vld [tilespmem:s22+$0xFFFFFDB0]  }
0x262: {  	v1 =	vld [tilespmem:s22+$0xFFFFFE30];
	_ =	sdelay $0x1  }
0x263: {  	v2 =	vld [tilespmem:s22+$0xFFFFFEB0];
	_ =	sdelay $0x1  }
0x264: {  	v3 =	vld [tilespmem:s22+$0xFFFFFF30]  }
0x265: {  	v0 =	vadd.f32 v1, v0  }
0x266: {  	v1 =	vld [tilespmem:s22+$0xFFFFFFB0]  }
0x267: {  	v0 =	vadd.f32 v2, v0  }
0x268: {  	v2 =	vld [tilespmem:s22+$0x30]  }
0x269: {  	v0 =	vadd.f32 v3, v0  }
0x26a: {  	v3 =	vld [tilespmem:s22+$0xB0]  }
0x26b: {  	v0 =	vadd.f32 v1, v0  }
0x26c: {  	v1 =	vld [tilespmem:s22+$0x130]  }
0x26d: {  	v0 =	vadd.f32 v2, v0  }
0x26e: {  	v2 =	vld [tilespmem:s22+$0x1B0]  }
0x26f: {  	v0 =	vadd.f32 v3, v0  }
0x270: {  	v3 =	vld [tilespmem:s22+$0x230]  }
0x271: {  	v0 =	vadd.f32 v1, v0;
	_ =	sdelay $0x1  }
0x272: {  	v0 =	vadd.f32 v2, v0;
	_ =	sdelay $0x1  }
0x273: {  	v0 =	vadd.f32 v3, v0;
	_ =	sdelay $0x1  }
0x274: {  	v0 =	vmul.f32 $1.000000010e-01, v0;
	_ =	sdelay $0x1  }
0x275: {  	[tilespmem:s23+$0xA830] =	vst v0  }
0x276: {  	v0 =	vld [tilespmem:s22+$0xFFFFFDC0]  }
0x277: {  	v1 =	vld [tilespmem:s22+$0xFFFFFE40];
	_ =	sdelay $0x1  }
0x278: {  	v2 =	vld [tilespmem:s22+$0xFFFFFEC0];
	_ =	sdelay $0x1  }
0x279: {  	v3 =	vld [tilespmem:s22+$0xFFFFFF40]  }
0x27a: {  	v0 =	vadd.f32 v1, v0  }
0x27b: {  	v1 =	vld [tilespmem:s22+$0xFFFFFFC0]  }
0x27c: {  	v0 =	vadd.f32 v2, v0  }
0x27d: {  	v2 =	vld [tilespmem:s22+$0x40]  }
0x27e: {  	v0 =	vadd.f32 v3, v0  }
0x27f: {  	v3 =	vld [tilespmem:s22+$0xC0]  }
0x280: {  	v0 =	vadd.f32 v1, v0  }
0x281: {  	v1 =	vld [tilespmem:s22+$0x140]  }
0x282: {  	v0 =	vadd.f32 v2, v0  }
0x283: {  	v2 =	vld [tilespmem:s22+$0x1C0]  }
0x284: {  	v0 =	vadd.f32 v3, v0  }
0x285: {  	v3 =	vld [tilespmem:s22+$0x240]  }
0x286: {  	v0 =	vadd.f32 v1, v0;
	_ =	sdelay $0x1  }
0x287: {  	v0 =	vadd.f32 v2, v0;
	_ =	sdelay $0x1  }
0x288: {  	v0 =	vadd.f32 v3, v0;
	_ =	sdelay $0x1  }
0x289: {  	v0 =	vmul.f32 $1.000000010e-01, v0;
	_ =	sdelay $0x1  }
0x28a: {  	[tilespmem:s23+$0xA840] =	vst v0  }
0x28b: {  	v0 =	vld [tilespmem:s22+$0xFFFFFDD0]  }
0x28c: {  	v1 =	vld [tilespmem:s22+$0xFFFFFE50]  }
0x28d: {  	v2 =	vld [tilespmem:s22+$0xFFFFFED0]  }
0x28e: {  	v3 =	vld [tilespmem:s22+$0xFFFFFF50]  }
0x28f: {  	v4 =	vld [tilespmem:s22+$0xFFFFFFD0]  }
0x290: {  	v5 =	vld [tilespmem:s22+$0x50]  }
0x291: {  	v0 =	vadd.f32 v1, v0;
	v1 =	vld [tilespmem:s22+$0xD0]  }
0x292: {  	v6 =	vld [tilespmem:s22+$0x150]  }
0x293: {  	v0 =	vadd.f32 v2, v0;
	v2 =	vld [tilespmem:s22+$0x1D0]  }
0x294: {  	v7 =	vld [tilespmem:s22+$0x250]  }
0x295: {  	v0 =	vadd.f32 v3, v0;
	_ =	sdelay $0x1  }
0x296: {  	v0 =	vadd.f32 v4, v0;
	_ =	sdelay $0x1  }
0x297: {  	v0 =	vadd.f32 v5, v0;
	_ =	sdelay $0x1  }
0x298: {  	v0 =	vadd.f32 v1, v0;
	_ =	sdelay $0x1  }
0x299: {  	v0 =	vadd.f32 v6, v0;
	_ =	sdelay $0x1  }
0x29a: {  	v0 =	vadd.f32 v2, v0;
	_ =	sdelay $0x1  }
0x29b: {  	v0 =	vadd.f32 v7, v0;
	_ =	sdelay $0x1  }
0x29c: {  	v0 =	vmul.f32 $1.000000010e-01, v0;
	_ =	sdelay $0x1  }
0x29d: {  	[tilespmem:s23+$0xA850] =	vst v0  }
0x29e: {  	v0 =	vld [tilespmem:s22+$0xFFFFFDE0]  }
0x29f: {  	v1 =	vld [tilespmem:s22+$0xFFFFFE60]  }
0x2a0: {  	v2 =	vld [tilespmem:s22+$0xFFFFFEE0]  }
0x2a1: {  	v3 =	vld [tilespmem:s22+$0xFFFFFF60]  }
0x2a2: {  	v4 =	vld [tilespmem:s22+$0xFFFFFFE0]  }
0x2a3: {  	v5 =	vld [tilespmem:s22+$0x60]  }
0x2a4: {  	v0 =	vadd.f32 v1, v0;
	v1 =	vld [tilespmem:s22+$0xE0]  }
0x2a5: {  	v6 =	vld [tilespmem:s22+$0x160]  }
0x2a6: {  	v0 =	vadd.f32 v2, v0;
	v2 =	vld [tilespmem:s22+$0x1E0]  }
0x2a7: {  	v7 =	vld [tilespmem:s22+$0x260]  }
0x2a8: {  	v0 =	vadd.f32 v3, v0;
	_ =	sdelay $0x1  }
0x2a9: {  	v0 =	vadd.f32 v4, v0;
	_ =	sdelay $0x1  }
0x2aa: {  	v0 =	vadd.f32 v5, v0;
	_ =	sdelay $0x1  }
0x2ab: {  	v0 =	vadd.f32 v1, v0;
	_ =	sdelay $0x1  }
0x2ac: {  	v0 =	vadd.f32 v6, v0;
	_ =	sdelay $0x1  }
0x2ad: {  	v0 =	vadd.f32 v2, v0;
	_ =	sdelay $0x1  }
0x2ae: {  	v0 =	vadd.f32 v7, v0;
	_ =	sdelay $0x1  }
0x2af: {  	v0 =	vmul.f32 $1.000000010e-01, v0;
	_ =	sdelay $0x1  }
0x2b0: {  	[tilespmem:s23+$0xA860] =	vst v0  }
0x2b1: {  	v0 =	vld [tilespmem:s22+$0xFFFFFDF0]  }
0x2b2: {  	v1 =	vld [tilespmem:s22+$0xFFFFFE70]  }
0x2b3: {  	v3 =	vld [tilespmem:s22+$0xFFFFFEF0]  }
0x2b4: {  	v4 =	vld [tilespmem:s22+$0xFFFFFF70]  }
0x2b5: {  	v5 =	vld [tilespmem:s22+$0xFFFFFFF0]  }
0x2b6: {  	v6 =	vld [tilespmem:s22+$0x70]  }
0x2b7: {  	v0 =	vadd.f32 v1, v0;
	v7 =	vld [tilespmem:s22+$0xF0]  }
0x2b8: {  	v2 =	vld [tilespmem:s22+$0x170]  }
0x2b9: {  	v3 =	vadd.f32 v3, v0;
	v0 =	vld [tilespmem:s22+$0x1F0]  }
0x2ba: {  	v1 =	vld [tilespmem:s22+$0x270]  }
0x2bb: {  	v3 =	vadd.f32 v4, v3;
	_ =	sdelay $0x1  }
.Ltmp3:
0x2bc: {  	v3 =	vadd.f32 v5, v3;
	(pc) =	sbr.rel @p0 .LBB2_5-.Ltmp3, $3  }
0x2bd: {  	_ = 	snop  }
0x2be: {  	v3 =	vadd.f32 v6, v3;
	_ =	sdelay $0x1  }
0x2bf: {  	v3 =	vadd.f32 v7, v3  }
0x2c0: {  	_ = 	snop  }
0x2c1: {  	v2 =	vadd.f32 v2, v3;
	_ =	sdelay $0x1  }
0x2c2: {  	v0 =	vadd.f32 v0, v2;
	_ =	sdelay $0x1  }
0x2c3: {  	v0 =	vadd.f32 v1, v0  }
.Ltmp4:
0x2c4: {  	_ = 	snop;
	(pc) =	sbr.rel @p1 .LBB2_8-.Ltmp4, $4  }
0x2c5: {  	v0 =	vmul.f32 $1.000000010e-01, v0  }
0x2c6: {  	s22 =	sshll.u32 s24, $0x4  }
0x2c7: {  	s22 =	sadd.s32 s4, s22;
	[tilespmem:s23+$0xA870] =	vst v0  }
0x2c8: {  	[hbm4b:s22+s3] =	stream.linear.scatter [tilespmem:s16], [sflag:$0x4], $0x800, $0x38;
	[tilespmem:$0xB000] =	vst v63  }
.Ltmp5:
0x2c9: {  	s21 =	sadd.s32 s21, s10;
	(pc) =	sbr.rel .LBB2_2-.Ltmp5, $3  }
0x2ca: {  	s21 =	smul.u32 $0xA0, s21;
	_ =	sdelay $0x1  }
0x2cb: {  	s20 =	sadd.s32 $0x1, s20;
	s21 =	sadd.s32 s2, s21  }
0x2cc: {  	[tilespmem:s12], [sflag:$0x2] =	stream.linear.gather [hbm4b:s21+s3], $0x5000, $0x38;
	[tilespmem:$0xB000] =	vst v63  }
.LBB2_9:
0x2cd: {  	_ =	sfence.sel $0x180000  }
0x2ce: {  	[bflag:$0x0] =	sbarrier.arrive $0xFFFF  }
0x2cf: {  	p0 =	sne.s32 s0, $0x0;
	_ =	strace $0x90000047  }
0x2d0: {  	s0 =	sadd.s32 @!p0 $0x100000, s1;
	[bflag:$0x2] =	sbarrier.arrive $0xFFFF  }
0x2d1: {  	[sflag:s0] =	ssyncadd.tile.s32 @!p0 $0x1;
	_ =	shalt  }
.Lfunc_end2:
_tile_overlayer_lowered:
.L_overlay_start_2:
0x2d2: {  	(tag) =	ssettag $0x2  }
0x2d3: {  	s0 =	rddreg [dreg:$0x0];
	s2 =	stileid.u32  }
0x2d4: {  	s1 =	rddreg [dreg:$0x1];
	p0 =	sne.s32 s2, $0x0  }
0x2d5: {  	s3 =	rddreg [dreg:$0x2];
	[bflag:$0x3] =	sbarrier.arrive $0xFFFF;
	s2 =	simm.s32 @!p0 $0x1C05  }
0x2d6: {  	[timem:s3], [sflag:s2] =	dma.local @!p0 [hbm:s0], s1  }
0x2d7: {  	s0 =	simm.s32 @!p0 $0x5  }
0x2d8: {  	_ =	swait.ge @!p0 [sflag:s0], s1  }
0x2d9: {  	s1 =	ssub.s32 @!p0 $0x0, s1;
	[sflag:s0] =	ssyncset.done @!p0 $0x0  }
0x2da: {  	[sflag:s0] =	ssyncadd.s32 @!p0 s1  }
0x2db: {  	[bflag:$0x3] =	sbarrier.arrive $0xFFFF  }
0x2dc: {  	_ =	shalt  }

</sc_bundles>
